<compile_context>
chip_gen: v7x
topology: tpu7x:2x2x1
jax: 0.10.2.dev20260603
libtpu: 0.0.44.dev20260713+nightly
codegen_flags: <defaults>
</compile_context>

<pallas_src>
import functools

import jax
import jax.numpy as jnp
from jax import lax
from jax.experimental import pallas as pl
from jax.experimental.pallas import tpu as pltpu
from jax.experimental.pallas import tpu_sc as plsc

VOCAB = 100000
DIM = 64
B = 4096
L = 50

TOTAL = B * L
NC = 2
NS = 16
NW = NC * NS
PER_W = TOTAL // NW
CHUNK = 128
NCH = PER_W // CHUNK
K = 5
NG = NCH // K

TBL_BLK = 16384
TBL_GRID = -(-VOCAB // TBL_BLK)


def _transform_body(tt_ref, w_ref, b_ref, out_ref):
    x = lax.dot_general(
        tt_ref[...], w_ref[...],
        dimension_numbers=(((0,), (1,)), ((), ())),
        preferred_element_type=jnp.float32,
    )
    y = jax.nn.sigmoid(x + b_ref[...])
    out_ref[...] = jnp.concatenate([y, y], axis=1)


def _transform_table(tt, W, b2d):
    return pl.pallas_call(
        _transform_body,
        grid=(TBL_GRID,),
        in_specs=[
            pl.BlockSpec((DIM, TBL_BLK), lambda i: (0, i)),
            pl.BlockSpec((DIM, DIM), lambda i: (0, 0)),
            pl.BlockSpec((1, DIM), lambda i: (0, 0)),
        ],
        out_specs=pl.BlockSpec((TBL_BLK, 2 * DIM), lambda i: (i, 0)),
        out_shape=jax.ShapeDtypeStruct((TBL_GRID * TBL_BLK, 2 * DIM), jnp.float32),
    )(tt, W, b2d)


_sc_mesh = plsc.VectorSubcoreMesh(core_axis_name="c", subcore_axis_name="s")


CPL = B // CHUNK // 2


def _idx_body(bt_ref, out_ref):
    out_ref[...] = (bt_ref[...] * 2).reshape(L * B // CHUNK, CHUNK)


def _make_idx(bt):
    return pl.pallas_call(
        _idx_body,
        in_specs=[pl.BlockSpec((L, B), lambda: (0, 0))],
        out_specs=pl.BlockSpec((L * B // CHUNK, CHUNK), lambda: (0, 0)),
        out_shape=jax.ShapeDtypeStruct((L * B // CHUNK, CHUNK), jnp.int32),
    )(bt)


@functools.partial(
    pl.kernel,
    out_type=jax.ShapeDtypeStruct((TOTAL // 2, 2 * DIM), jnp.float32),
    mesh=_sc_mesh,
    scratch_types=[
        pltpu.VMEM((NCH, CHUNK), jnp.int32),
        pltpu.VMEM((2, K * CHUNK, DIM), jnp.float32),
        pltpu.SemaphoreType.DMA,
        pltpu.SemaphoreType.DMA,
    ],
    compiler_params=pltpu.CompilerParams(use_tc_tiling_on_sc=False),
)
def _sc_gather(tprime_hbm, idx_hbm, out_hbm, idx_v, rows_v, sem0, sem1):
    wid = lax.axis_index("s") * NC + lax.axis_index("c")
    cbase = wid * NCH
    pltpu.sync_copy(idx_hbm.at[pl.ds(cbase, NCH)], idx_v)

    def fire(g, buf, sem):
        return [
            pltpu.async_copy(
                tprime_hbm.at[idx_v.at[g * K + j]],
                rows_v.at[buf].at[pl.ds(j * CHUNK, CHUNK)], sem)
            for j in range(K)
        ]

    def writeback(g, buf):
        for j in range(K):
            c = cbase + g * K + j
            ci = lax.rem(c, 32)
            mrow = lax.div(c, 32) * (B // 2) + lax.rem(ci, CPL) * CHUNK
            par = lax.div(ci, CPL)
            pltpu.sync_copy(
                rows_v.at[buf].at[pl.ds(j * CHUNK, CHUNK)],
                out_hbm.at[pl.ds(mrow, CHUNK), pl.ds(par * DIM, DIM)])

    @pl.loop(0, NG, step=2)
    def _groups(e):
        h0 = fire(e, 0, sem0)
        h1 = fire(e + 1, 1, sem1)
        for h in h0:
            h.wait()
        writeback(e, 0)
        for h in h1:
            h.wait()
        writeback(e + 1, 1)


def _transpose_body(g_ref, out_ref):
    for s in range(2):
        x = g_ref[pl.ds(s * (B // 2), B // 2), :]
        xt = jnp.transpose(x)
        out_ref[s] = jnp.concatenate([xt[0:DIM, :], xt[DIM:2 * DIM, :]],
                                     axis=1)


def _transpose_out(g128):
    return pl.pallas_call(
        _transpose_body,
        grid=(L // 2,),
        in_specs=[
            pl.BlockSpec((B, 2 * DIM), lambda l: (l, 0)),
        ],
        out_specs=pl.BlockSpec((2, DIM, B), lambda l: (l, 0, 0)),
        out_shape=jax.ShapeDtypeStruct((L, DIM, B), jnp.float32),
    )(g128)


def kernel(batch, table, W, b):
    tt = jnp.transpose(table)
    t128 = _transform_table(tt, W, b.reshape(1, DIM))
    tlin = t128.reshape(TBL_GRID * TBL_BLK * 2, DIM)
    bt = jnp.transpose(batch).astype(jnp.int32)
    idx = _make_idx(bt)
    gathered = _sc_gather(tlin, idx)
    out3 = _transpose_out(gathered)
    return jnp.transpose(out3, (2, 0, 1))

# --- scband reference (transcript-rebuilt; emitter-appended) ---
"""Pipeline reference for scband-embeddings-module-46102178955616 (READ-ONLY COPY).

The authoritative reference and input builder live on the scoring server;
editing this copy changes nothing except your own understanding.
"""

import jax, jax.numpy as jnp
import numpy as np

VOCAB = 100000
DIM = 64
B = 4096
L = 50

def setup_inputs(seed: int = 0) -> dict:
    key = jax.random.key(seed)
    k1, k2, k3, k4 = jax.random.split(key, 4)
    indices = jax.random.randint(k1, (B, L), 0, VOCAB)
    table = jax.random.normal(k2, (VOCAB, DIM), dtype=jnp.float32) * 0.02
    table = table.at[0].set(0.0)  # padding_idx=0 row
    W = jax.random.normal(k3, (DIM, DIM), dtype=jnp.float32) * (1.0 / np.sqrt(DIM))
    b = jax.random.normal(k4, (DIM,), dtype=jnp.float32) * 0.01
    return {"batch": indices, "table": table, "W": W, "b": b}

def reference(batch, table, W, b):
    # torch: out = Sequential(Embedding(padding_idx=0), Linear(dim, dim), Sigmoid())(batch)
    emb = jnp.take(table, batch, axis=0)          # gather: [B, L, DIM]
    lin = emb @ W.T + b                            # mapping layer
    out = jax.nn.sigmoid(lin)
    return out

if __name__ == "__main__":
    import jax
    _d = setup_inputs()
    print(jax.jit(kernel)(*tuple(_d.values())))

</pallas_src>

<mosaic_0001>
#map = affine_map<(d0, d1) -> (0, 0)>
module attributes {stable_mosaic.version = 14 : i64} {
  func.func @_sc_gather(%arg0: i32, %arg1: i32, %arg2: memref<229376x64xf32, #tpu.memory_space<hbm>>, %arg3: memref<1600x128xi32, #tpu.memory_space<hbm>>, %arg4: memref<102400x128xf32, #tpu.memory_space<hbm>>, %arg5: memref<50x128xi32, #tpu.memory_space<vmem>>, %arg6: memref<2x640x64xf32, #tpu.memory_space<vmem>>, %arg7: memref<!tpu.dma_semaphore, #tpu.memory_space<semaphore_mem>>, %arg8: memref<!tpu.dma_semaphore, #tpu.memory_space<semaphore_mem>>) attributes {dimension_semantics = [#tpu.dimension_semantics<core_parallel>, #tpu.dimension_semantics<subcore_parallel>], iteration_bounds = array<i64: 2, 16>, scalar_prefetch = 0 : i64, scratch_operands = 4 : i64, tpu.core_type = #tpu.core_type<sc_vector_subcore>, window_params = [{transform_indices = #map}, {transform_indices = #map}, {transform_indices = #map}]} {
    %mul3A = arith.constant 2 : i32
    %mul3A_0 = arith.muli %arg1, %mul3A : i32
    %add3A = arith.addi %mul3A_0, %arg0 : i32
    %mul3A_1 = arith.constant 50 : i32
    %mul3A_2 = arith.muli %add3A, %mul3A_1 : i32
    "tpu.region"() ({
      %run_scoped3A = tpu.sem_alloc : memref<!tpu.dma_semaphore, #tpu.memory_space<semaphore_mem>>
      %dma_start3A = arith.constant 0 : i32
      %dma_start3A_7 = tpu.memref_slice %arg3[%mul3A_2, %dma_start3A] : memref<1600x128xi32, #tpu.memory_space<hbm>> -> memref<50x128xi32, #tpu.memory_space<hbm>>
      %dma_start3A_8 = arith.constant 0 : i32
      %dma_start3A_9 = tpu.memref_slice %arg3[%mul3A_2, %dma_start3A_8] : memref<1600x128xi32, #tpu.memory_space<hbm>> -> memref<50x128xi32, #tpu.memory_space<hbm>>
      tpu.enqueue_dma source(%dma_start3A_9 : memref<50x128xi32, #tpu.memory_space<hbm>>) target(%arg5 : memref<50x128xi32, #tpu.memory_space<vmem>>) target_semaphore(%run_scoped3A : memref<!tpu.dma_semaphore, #tpu.memory_space<semaphore_mem>>)
      %dma_wait3A = arith.constant 0 : i32
      %dma_wait3A_10 = tpu.memref_slice %arg3[%mul3A_2, %dma_wait3A] : memref<1600x128xi32, #tpu.memory_space<hbm>> -> memref<50x128xi32, #tpu.memory_space<hbm>>
      %dma_wait3A_11 = arith.constant 0 : i32
      %dma_wait3A_12 = tpu.memref_slice %arg3[%mul3A_2, %dma_wait3A_11] : memref<1600x128xi32, #tpu.memory_space<hbm>> -> memref<50x128xi32, #tpu.memory_space<hbm>>
      tpu.wait_dma2 semaphore(%run_scoped3A : memref<!tpu.dma_semaphore, #tpu.memory_space<semaphore_mem>>) src(%dma_wait3A_12 : memref<50x128xi32, #tpu.memory_space<hbm>>) dst(%arg5 : memref<50x128xi32, #tpu.memory_space<vmem>>)
      tpu.yield
    }) : () -> ()
    %scan3A = arith.constant 0 : i32
    %scan3A_3 = arith.constant 5 : i32
    %scan3A_4 = arith.addi %scan3A, %scan3A_3 : i32
    %scan3A_5 = arith.constant 1 : i32
    scf.for %scan3A_7 = %scan3A to %scan3A_4 step %scan3A_5  : i32 {
      %mul3A_8 = arith.constant 2 : i32
      %mul3A_9 = arith.muli %scan3A_7, %mul3A_8 : i32
      %add3A_10 = arith.constant 0 : i32
      %add3A_11 = arith.addi %add3A_10, %mul3A_9 : i32
      %mul3A_12 = arith.constant 5 : i32
      %mul3A_13 = arith.muli %add3A_11, %mul3A_12 : i32
      %add3A_14 = arith.constant 0 : i32
      %add3A_15 = arith.addi %mul3A_13, %add3A_14 : i32
      %dma_start3A = arith.constant 0 : i32
      %dma_start3A_16 = arith.constant 0 : i32
      %dma_start3A_17 = arith.constant 0 : i32
      %dma_start3A_18 = tpu.memref_slice %arg6[%dma_start3A, %dma_start3A_16, %dma_start3A_17] : memref<2x640x64xf32, #tpu.memory_space<vmem>> -> memref<1x640x64xf32, #tpu.memory_space<vmem>>
      %dma_start3A_19 = tpu.memref_squeeze %dma_start3A_18 : memref<1x640x64xf32, #tpu.memory_space<vmem>> -> memref<640x64xf32, #tpu.memory_space<vmem>>
      %dma_start3A_20 = arith.constant 0 : i32
      %dma_start3A_21 = arith.constant 0 : i32
      %dma_start3A_22 = tpu.memref_slice %dma_start3A_19[%dma_start3A_20, %dma_start3A_21] : memref<640x64xf32, #tpu.memory_space<vmem>> -> memref<128x64xf32, #tpu.memory_space<vmem>>
      %dma_start3A_23 = arith.constant 0 : i32
      %dma_start3A_24 = tpu.memref_slice %arg5[%add3A_15, %dma_start3A_23] : memref<50x128xi32, #tpu.memory_space<vmem>> -> memref<1x128xi32, #tpu.memory_space<vmem>>
      %dma_start3A_25 = tpu.memref_squeeze %dma_start3A_24 : memref<1x128xi32, #tpu.memory_space<vmem>> -> memref<128xi32, #tpu.memory_space<vmem>>
      %dma_start3A_26 = arith.constant 0 : i32
      %dma_start3A_27 = arith.constant 0 : i32
      %dma_start3A_28 = tpu.memref_slice %arg2[%dma_start3A_26, %dma_start3A_27] : memref<229376x64xf32, #tpu.memory_space<hbm>> -> memref<229376x64xf32, #tpu.memory_space<hbm>>
      tpu.enqueue_indirect_dma source(%dma_start3A_28 : memref<229376x64xf32, #tpu.memory_space<hbm>>) target(%dma_start3A_22 : memref<128x64xf32, #tpu.memory_space<vmem>>) offsets(%dma_start3A_25 : memref<128xi32, #tpu.memory_space<vmem>>) semaphore(%arg7 : memref<!tpu.dma_semaphore, #tpu.memory_space<semaphore_mem>>)
      %mul3A_29 = arith.constant 5 : i32
      %mul3A_30 = arith.muli %add3A_11, %mul3A_29 : i32
      %add3A_31 = arith.constant 1 : i32
      %add3A_32 = arith.addi %mul3A_30, %add3A_31 : i32
      %dma_start3A_33 = arith.constant 0 : i32
      %dma_start3A_34 = arith.constant 0 : i32
      %dma_start3A_35 = arith.constant 0 : i32
      %dma_start3A_36 = tpu.memref_slice %arg6[%dma_start3A_33, %dma_start3A_34, %dma_start3A_35] : memref<2x640x64xf32, #tpu.memory_space<vmem>> -> memref<1x640x64xf32, #tpu.memory_space<vmem>>
      %dma_start3A_37 = tpu.memref_squeeze %dma_start3A_36 : memref<1x640x64xf32, #tpu.memory_space<vmem>> -> memref<640x64xf32, #tpu.memory_space<vmem>>
      %dma_start3A_38 = arith.constant 128 : i32
      %dma_start3A_39 = arith.constant 0 : i32
      %dma_start3A_40 = tpu.memref_slice %dma_start3A_37[%dma_start3A_38, %dma_start3A_39] : memref<640x64xf32, #tpu.memory_space<vmem>> -> memref<128x64xf32, #tpu.memory_space<vmem>>
      %dma_start3A_41 = arith.constant 0 : i32
      %dma_start3A_42 = tpu.memref_slice %arg5[%add3A_32, %dma_start3A_41] : memref<50x128xi32, #tpu.memory_space<vmem>> -> memref<1x128xi32, #tpu.memory_space<vmem>>
      %dma_start3A_43 = tpu.memref_squeeze %dma_start3A_42 : memref<1x128xi32, #tpu.memory_space<vmem>> -> memref<128xi32, #tpu.memory_space<vmem>>
      %dma_start3A_44 = arith.constant 0 : i32
      %dma_start3A_45 = arith.constant 0 : i32
      %dma_start3A_46 = tpu.memref_slice %arg2[%dma_start3A_44, %dma_start3A_45] : memref<229376x64xf32, #tpu.memory_space<hbm>> -> memref<229376x64xf32, #tpu.memory_space<hbm>>
      tpu.enqueue_indirect_dma source(%dma_start3A_46 : memref<229376x64xf32, #tpu.memory_space<hbm>>) target(%dma_start3A_40 : memref<128x64xf32, #tpu.memory_space<vmem>>) offsets(%dma_start3A_43 : memref<128xi32, #tpu.memory_space<vmem>>) semaphore(%arg7 : memref<!tpu.dma_semaphore, #tpu.memory_space<semaphore_mem>>)
      %mul3A_47 = arith.constant 5 : i32
      %mul3A_48 = arith.muli %add3A_11, %mul3A_47 : i32
      %add3A_49 = arith.constant 2 : i32
      %add3A_50 = arith.addi %mul3A_48, %add3A_49 : i32
      %dma_start3A_51 = arith.constant 0 : i32
      %dma_start3A_52 = arith.constant 0 : i32
      %dma_start3A_53 = arith.constant 0 : i32
      %dma_start3A_54 = tpu.memref_slice %arg6[%dma_start3A_51, %dma_start3A_52, %dma_start3A_53] : memref<2x640x64xf32, #tpu.memory_space<vmem>> -> memref<1x640x64xf32, #tpu.memory_space<vmem>>
      %dma_start3A_55 = tpu.memref_squeeze %dma_start3A_54 : memref<1x640x64xf32, #tpu.memory_space<vmem>> -> memref<640x64xf32, #tpu.memory_space<vmem>>
      %dma_start3A_56 = arith.constant 256 : i32
      %dma_start3A_57 = arith.constant 0 : i32
      %dma_start3A_58 = tpu.memref_slice %dma_start3A_55[%dma_start3A_56, %dma_start3A_57] : memref<640x64xf32, #tpu.memory_space<vmem>> -> memref<128x64xf32, #tpu.memory_space<vmem>>
      %dma_start3A_59 = arith.constant 0 : i32
      %dma_start3A_60 = tpu.memref_slice %arg5[%add3A_50, %dma_start3A_59] : memref<50x128xi32, #tpu.memory_space<vmem>> -> memref<1x128xi32, #tpu.memory_space<vmem>>
      %dma_start3A_61 = tpu.memref_squeeze %dma_start3A_60 : memref<1x128xi32, #tpu.memory_space<vmem>> -> memref<128xi32, #tpu.memory_space<vmem>>
      %dma_start3A_62 = arith.constant 0 : i32
      %dma_start3A_63 = arith.constant 0 : i32
      %dma_start3A_64 = tpu.memref_slice %arg2[%dma_start3A_62, %dma_start3A_63] : memref<229376x64xf32, #tpu.memory_space<hbm>> -> memref<229376x64xf32, #tpu.memory_space<hbm>>
      tpu.enqueue_indirect_dma source(%dma_start3A_64 : memref<229376x64xf32, #tpu.memory_space<hbm>>) target(%dma_start3A_58 : memref<128x64xf32, #tpu.memory_space<vmem>>) offsets(%dma_start3A_61 : memref<128xi32, #tpu.memory_space<vmem>>) semaphore(%arg7 : memref<!tpu.dma_semaphore, #tpu.memory_space<semaphore_mem>>)
      %mul3A_65 = arith.constant 5 : i32
      %mul3A_66 = arith.muli %add3A_11, %mul3A_65 : i32
      %add3A_67 = arith.constant 3 : i32
      %add3A_68 = arith.addi %mul3A_66, %add3A_67 : i32
      %dma_start3A_69 = arith.constant 0 : i32
      %dma_start3A_70 = arith.constant 0 : i32
      %dma_start3A_71 = arith.constant 0 : i32
      %dma_start3A_72 = tpu.memref_slice %arg6[%dma_start3A_69, %dma_start3A_70, %dma_start3A_71] : memref<2x640x64xf32, #tpu.memory_space<vmem>> -> memref<1x640x64xf32, #tpu.memory_space<vmem>>
      %dma_start3A_73 = tpu.memref_squeeze %dma_start3A_72 : memref<1x640x64xf32, #tpu.memory_space<vmem>> -> memref<640x64xf32, #tpu.memory_space<vmem>>
      %dma_start3A_74 = arith.constant 384 : i32
      %dma_start3A_75 = arith.constant 0 : i32
      %dma_start3A_76 = tpu.memref_slice %dma_start3A_73[%dma_start3A_74, %dma_start3A_75] : memref<640x64xf32, #tpu.memory_space<vmem>> -> memref<128x64xf32, #tpu.memory_space<vmem>>
      %dma_start3A_77 = arith.constant 0 : i32
      %dma_start3A_78 = tpu.memref_slice %arg5[%add3A_68, %dma_start3A_77] : memref<50x128xi32, #tpu.memory_space<vmem>> -> memref<1x128xi32, #tpu.memory_space<vmem>>
      %dma_start3A_79 = tpu.memref_squeeze %dma_start3A_78 : memref<1x128xi32, #tpu.memory_space<vmem>> -> memref<128xi32, #tpu.memory_space<vmem>>
      %dma_start3A_80 = arith.constant 0 : i32
      %dma_start3A_81 = arith.constant 0 : i32
      %dma_start3A_82 = tpu.memref_slice %arg2[%dma_start3A_80, %dma_start3A_81] : memref<229376x64xf32, #tpu.memory_space<hbm>> -> memref<229376x64xf32, #tpu.memory_space<hbm>>
      tpu.enqueue_indirect_dma source(%dma_start3A_82 : memref<229376x64xf32, #tpu.memory_space<hbm>>) target(%dma_start3A_76 : memref<128x64xf32, #tpu.memory_space<vmem>>) offsets(%dma_start3A_79 : memref<128xi32, #tpu.memory_space<vmem>>) semaphore(%arg7 : memref<!tpu.dma_semaphore, #tpu.memory_space<semaphore_mem>>)
      %mul3A_83 = arith.constant 5 : i32
      %mul3A_84 = arith.muli %add3A_11, %mul3A_83 : i32
      %add3A_85 = arith.constant 4 : i32
      %add3A_86 = arith.addi %mul3A_84, %add3A_85 : i32
      %dma_start3A_87 = arith.constant 0 : i32
      %dma_start3A_88 = arith.constant 0 : i32
      %dma_start3A_89 = arith.constant 0 : i32
      %dma_start3A_90 = tpu.memref_slice %arg6[%dma_start3A_87, %dma_start3A_88, %dma_start3A_89] : memref<2x640x64xf32, #tpu.memory_space<vmem>> -> memref<1x640x64xf32, #tpu.memory_space<vmem>>
      %dma_start3A_91 = tpu.memref_squeeze %dma_start3A_90 : memref<1x640x64xf32, #tpu.memory_space<vmem>> -> memref<640x64xf32, #tpu.memory_space<vmem>>
      %dma_start3A_92 = arith.constant 512 : i32
      %dma_start3A_93 = arith.constant 0 : i32
      %dma_start3A_94 = tpu.memref_slice %dma_start3A_91[%dma_start3A_92, %dma_start3A_93] : memref<640x64xf32, #tpu.memory_space<vmem>> -> memref<128x64xf32, #tpu.memory_space<vmem>>
      %dma_start3A_95 = arith.constant 0 : i32
      %dma_start3A_96 = tpu.memref_slice %arg5[%add3A_86, %dma_start3A_95] : memref<50x128xi32, #tpu.memory_space<vmem>> -> memref<1x128xi32, #tpu.memory_space<vmem>>
      %dma_start3A_97 = tpu.memref_squeeze %dma_start3A_96 : memref<1x128xi32, #tpu.memory_space<vmem>> -> memref<128xi32, #tpu.memory_space<vmem>>
      %dma_start3A_98 = arith.constant 0 : i32
      %dma_start3A_99 = arith.constant 0 : i32
      %dma_start3A_100 = tpu.memref_slice %arg2[%dma_start3A_98, %dma_start3A_99] : memref<229376x64xf32, #tpu.memory_space<hbm>> -> memref<229376x64xf32, #tpu.memory_space<hbm>>
      tpu.enqueue_indirect_dma source(%dma_start3A_100 : memref<229376x64xf32, #tpu.memory_space<hbm>>) target(%dma_start3A_94 : memref<128x64xf32, #tpu.memory_space<vmem>>) offsets(%dma_start3A_97 : memref<128xi32, #tpu.memory_space<vmem>>) semaphore(%arg7 : memref<!tpu.dma_semaphore, #tpu.memory_space<semaphore_mem>>)
      %add3A_101 = arith.constant 1 : i32
      %add3A_102 = arith.addi %add3A_11, %add3A_101 : i32
      %mul3A_103 = arith.constant 5 : i32
      %mul3A_104 = arith.muli %add3A_102, %mul3A_103 : i32
      %add3A_105 = arith.constant 0 : i32
      %add3A_106 = arith.addi %mul3A_104, %add3A_105 : i32
      %dma_start3A_107 = arith.constant 1 : i32
      %dma_start3A_108 = arith.constant 0 : i32
      %dma_start3A_109 = arith.constant 0 : i32
      %dma_start3A_110 = tpu.memref_slice %arg6[%dma_start3A_107, %dma_start3A_108, %dma_start3A_109] : memref<2x640x64xf32, #tpu.memory_space<vmem>> -> memref<1x640x64xf32, #tpu.memory_space<vmem>>
      %dma_start3A_111 = tpu.memref_squeeze %dma_start3A_110 : memref<1x640x64xf32, #tpu.memory_space<vmem>> -> memref<640x64xf32, #tpu.memory_space<vmem>>
      %dma_start3A_112 = arith.constant 0 : i32
      %dma_start3A_113 = arith.constant 0 : i32
      %dma_start3A_114 = tpu.memref_slice %dma_start3A_111[%dma_start3A_112, %dma_start3A_113] : memref<640x64xf32, #tpu.memory_space<vmem>> -> memref<128x64xf32, #tpu.memory_space<vmem>>
      %dma_start3A_115 = arith.constant 0 : i32
      %dma_start3A_116 = tpu.memref_slice %arg5[%add3A_106, %dma_start3A_115] : memref<50x128xi32, #tpu.memory_space<vmem>> -> memref<1x128xi32, #tpu.memory_space<vmem>>
      %dma_start3A_117 = tpu.memref_squeeze %dma_start3A_116 : memref<1x128xi32, #tpu.memory_space<vmem>> -> memref<128xi32, #tpu.memory_space<vmem>>
      %dma_start3A_118 = arith.constant 0 : i32
      %dma_start3A_119 = arith.constant 0 : i32
      %dma_start3A_120 = tpu.memref_slice %arg2[%dma_start3A_118, %dma_start3A_119] : memref<229376x64xf32, #tpu.memory_space<hbm>> -> memref<229376x64xf32, #tpu.memory_space<hbm>>
      tpu.enqueue_indirect_dma source(%dma_start3A_120 : memref<229376x64xf32, #tpu.memory_space<hbm>>) target(%dma_start3A_114 : memref<128x64xf32, #tpu.memory_space<vmem>>) offsets(%dma_start3A_117 : memref<128xi32, #tpu.memory_space<vmem>>) semaphore(%arg8 : memref<!tpu.dma_semaphore, #tpu.memory_space<semaphore_mem>>)
      %mul3A_121 = arith.constant 5 : i32
      %mul3A_122 = arith.muli %add3A_102, %mul3A_121 : i32
      %add3A_123 = arith.constant 1 : i32
      %add3A_124 = arith.addi %mul3A_122, %add3A_123 : i32
      %dma_start3A_125 = arith.constant 1 : i32
      %dma_start3A_126 = arith.constant 0 : i32
      %dma_start3A_127 = arith.constant 0 : i32
      %dma_start3A_128 = tpu.memref_slice %arg6[%dma_start3A_125, %dma_start3A_126, %dma_start3A_127] : memref<2x640x64xf32, #tpu.memory_space<vmem>> -> memref<1x640x64xf32, #tpu.memory_space<vmem>>
      %dma_start3A_129 = tpu.memref_squeeze %dma_start3A_128 : memref<1x640x64xf32, #tpu.memory_space<vmem>> -> memref<640x64xf32, #tpu.memory_space<vmem>>
      %dma_start3A_130 = arith.constant 128 : i32
      %dma_start3A_131 = arith.constant 0 : i32
      %dma_start3A_132 = tpu.memref_slice %dma_start3A_129[%dma_start3A_130, %dma_start3A_131] : memref<640x64xf32, #tpu.memory_space<vmem>> -> memref<128x64xf32, #tpu.memory_space<vmem>>
      %dma_start3A_133 = arith.constant 0 : i32
      %dma_start3A_134 = tpu.memref_slice %arg5[%add3A_124, %dma_start3A_133] : memref<50x128xi32, #tpu.memory_space<vmem>> -> memref<1x128xi32, #tpu.memory_space<vmem>>
      %dma_start3A_135 = tpu.memref_squeeze %dma_start3A_134 : memref<1x128xi32, #tpu.memory_space<vmem>> -> memref<128xi32, #tpu.memory_space<vmem>>
      %dma_start3A_136 = arith.constant 0 : i32
      %dma_start3A_137 = arith.constant 0 : i32
      %dma_start3A_138 = tpu.memref_slice %arg2[%dma_start3A_136, %dma_start3A_137] : memref<229376x64xf32, #tpu.memory_space<hbm>> -> memref<229376x64xf32, #tpu.memory_space<hbm>>
      tpu.enqueue_indirect_dma source(%dma_start3A_138 : memref<229376x64xf32, #tpu.memory_space<hbm>>) target(%dma_start3A_132 : memref<128x64xf32, #tpu.memory_space<vmem>>) offsets(%dma_start3A_135 : memref<128xi32, #tpu.memory_space<vmem>>) semaphore(%arg8 : memref<!tpu.dma_semaphore, #tpu.memory_space<semaphore_mem>>)
      %mul3A_139 = arith.constant 5 : i32
      %mul3A_140 = arith.muli %add3A_102, %mul3A_139 : i32
      %add3A_141 = arith.constant 2 : i32
      %add3A_142 = arith.addi %mul3A_140, %add3A_141 : i32
      %dma_start3A_143 = arith.constant 1 : i32
      %dma_start3A_144 = arith.constant 0 : i32
      %dma_start3A_145 = arith.constant 0 : i32
      %dma_start3A_146 = tpu.memref_slice %arg6[%dma_start3A_143, %dma_start3A_144, %dma_start3A_145] : memref<2x640x64xf32, #tpu.memory_space<vmem>> -> memref<1x640x64xf32, #tpu.memory_space<vmem>>
      %dma_start3A_147 = tpu.memref_squeeze %dma_start3A_146 : memref<1x640x64xf32, #tpu.memory_space<vmem>> -> memref<640x64xf32, #tpu.memory_space<vmem>>
      %dma_start3A_148 = arith.constant 256 : i32
      %dma_start3A_149 = arith.constant 0 : i32
      %dma_start3A_150 = tpu.memref_slice %dma_start3A_147[%dma_start3A_148, %dma_start3A_149] : memref<640x64xf32, #tpu.memory_space<vmem>> -> memref<128x64xf32, #tpu.memory_space<vmem>>
      %dma_start3A_151 = arith.constant 0 : i32
      %dma_start3A_152 = tpu.memref_slice %arg5[%add3A_142, %dma_start3A_151] : memref<50x128xi32, #tpu.memory_space<vmem>> -> memref<1x128xi32, #tpu.memory_space<vmem>>
      %dma_start3A_153 = tpu.memref_squeeze %dma_start3A_152 : memref<1x128xi32, #tpu.memory_space<vmem>> -> memref<128xi32, #tpu.memory_space<vmem>>
      %dma_start3A_154 = arith.constant 0 : i32
      %dma_start3A_155 = arith.constant 0 : i32
      %dma_start3A_156 = tpu.memref_slice %arg2[%dma_start3A_154, %dma_start3A_155] : memref<229376x64xf32, #tpu.memory_space<hbm>> -> memref<229376x64xf32, #tpu.memory_space<hbm>>
      tpu.enqueue_indirect_dma source(%dma_start3A_156 : memref<229376x64xf32, #tpu.memory_space<hbm>>) target(%dma_start3A_150 : memref<128x64xf32, #tpu.memory_space<vmem>>) offsets(%dma_start3A_153 : memref<128xi32, #tpu.memory_space<vmem>>) semaphore(%arg8 : memref<!tpu.dma_semaphore, #tpu.memory_space<semaphore_mem>>)
      %mul3A_157 = arith.constant 5 : i32
      %mul3A_158 = arith.muli %add3A_102, %mul3A_157 : i32
      %add3A_159 = arith.constant 3 : i32
      %add3A_160 = arith.addi %mul3A_158, %add3A_159 : i32
      %dma_start3A_161 = arith.constant 1 : i32
      %dma_start3A_162 = arith.constant 0 : i32
      %dma_start3A_163 = arith.constant 0 : i32
      %dma_start3A_164 = tpu.memref_slice %arg6[%dma_start3A_161, %dma_start3A_162, %dma_start3A_163] : memref<2x640x64xf32, #tpu.memory_space<vmem>> -> memref<1x640x64xf32, #tpu.memory_space<vmem>>
      %dma_start3A_165 = tpu.memref_squeeze %dma_start3A_164 : memref<1x640x64xf32, #tpu.memory_space<vmem>> -> memref<640x64xf32, #tpu.memory_space<vmem>>
      %dma_start3A_166 = arith.constant 384 : i32
      %dma_start3A_167 = arith.constant 0 : i32
      %dma_start3A_168 = tpu.memref_slice %dma_start3A_165[%dma_start3A_166, %dma_start3A_167] : memref<640x64xf32, #tpu.memory_space<vmem>> -> memref<128x64xf32, #tpu.memory_space<vmem>>
      %dma_start3A_169 = arith.constant 0 : i32
      %dma_start3A_170 = tpu.memref_slice %arg5[%add3A_160, %dma_start3A_169] : memref<50x128xi32, #tpu.memory_space<vmem>> -> memref<1x128xi32, #tpu.memory_space<vmem>>
      %dma_start3A_171 = tpu.memref_squeeze %dma_start3A_170 : memref<1x128xi32, #tpu.memory_space<vmem>> -> memref<128xi32, #tpu.memory_space<vmem>>
      %dma_start3A_172 = arith.constant 0 : i32
      %dma_start3A_173 = arith.constant 0 : i32
      %dma_start3A_174 = tpu.memref_slice %arg2[%dma_start3A_172, %dma_start3A_173] : memref<229376x64xf32, #tpu.memory_space<hbm>> -> memref<229376x64xf32, #tpu.memory_space<hbm>>
      tpu.enqueue_indirect_dma source(%dma_start3A_174 : memref<229376x64xf32, #tpu.memory_space<hbm>>) target(%dma_start3A_168 : memref<128x64xf32, #tpu.memory_space<vmem>>) offsets(%dma_start3A_171 : memref<128xi32, #tpu.memory_space<vmem>>) semaphore(%arg8 : memref<!tpu.dma_semaphore, #tpu.memory_space<semaphore_mem>>)
      %mul3A_175 = arith.constant 5 : i32
      %mul3A_176 = arith.muli %add3A_102, %mul3A_175 : i32
      %add3A_177 = arith.constant 4 : i32
      %add3A_178 = arith.addi %mul3A_176, %add3A_177 : i32
      %dma_start3A_179 = arith.constant 1 : i32
      %dma_start3A_180 = arith.constant 0 : i32
      %dma_start3A_181 = arith.constant 0 : i32
      %dma_start3A_182 = tpu.memref_slice %arg6[%dma_start3A_179, %dma_start3A_180, %dma_start3A_181] : memref<2x640x64xf32, #tpu.memory_space<vmem>> -> memref<1x640x64xf32, #tpu.memory_space<vmem>>
      %dma_start3A_183 = tpu.memref_squeeze %dma_start3A_182 : memref<1x640x64xf32, #tpu.memory_space<vmem>> -> memref<640x64xf32, #tpu.memory_space<vmem>>
      %dma_start3A_184 = arith.constant 512 : i32
      %dma_start3A_185 = arith.constant 0 : i32
      %dma_start3A_186 = tpu.memref_slice %dma_start3A_183[%dma_start3A_184, %dma_start3A_185] : memref<640x64xf32, #tpu.memory_space<vmem>> -> memref<128x64xf32, #tpu.memory_space<vmem>>
      %dma_start3A_187 = arith.constant 0 : i32
      %dma_start3A_188 = tpu.memref_slice %arg5[%add3A_178, %dma_start3A_187] : memref<50x128xi32, #tpu.memory_space<vmem>> -> memref<1x128xi32, #tpu.memory_space<vmem>>
      %dma_start3A_189 = tpu.memref_squeeze %dma_start3A_188 : memref<1x128xi32, #tpu.memory_space<vmem>> -> memref<128xi32, #tpu.memory_space<vmem>>
      %dma_start3A_190 = arith.constant 0 : i32
      %dma_start3A_191 = arith.constant 0 : i32
      %dma_start3A_192 = tpu.memref_slice %arg2[%dma_start3A_190, %dma_start3A_191] : memref<229376x64xf32, #tpu.memory_space<hbm>> -> memref<229376x64xf32, #tpu.memory_space<hbm>>
      tpu.enqueue_indirect_dma source(%dma_start3A_192 : memref<229376x64xf32, #tpu.memory_space<hbm>>) target(%dma_start3A_186 : memref<128x64xf32, #tpu.memory_space<vmem>>) offsets(%dma_start3A_189 : memref<128xi32, #tpu.memory_space<vmem>>) semaphore(%arg8 : memref<!tpu.dma_semaphore, #tpu.memory_space<semaphore_mem>>)
      %dma_wait3A = arith.constant 0 : i32
      %dma_wait3A_193 = arith.constant 0 : i32
      %dma_wait3A_194 = arith.constant 0 : i32
      %dma_wait3A_195 = tpu.memref_slice %arg6[%dma_wait3A, %dma_wait3A_193, %dma_wait3A_194] : memref<2x640x64xf32, #tpu.memory_space<vmem>> -> memref<1x640x64xf32, #tpu.memory_space<vmem>>
      %dma_wait3A_196 = tpu.memref_squeeze %dma_wait3A_195 : memref<1x640x64xf32, #tpu.memory_space<vmem>> -> memref<640x64xf32, #tpu.memory_space<vmem>>
      %dma_wait3A_197 = arith.constant 0 : i32
      %dma_wait3A_198 = arith.constant 0 : i32
      %dma_wait3A_199 = tpu.memref_slice %dma_wait3A_196[%dma_wait3A_197, %dma_wait3A_198] : memref<640x64xf32, #tpu.memory_space<vmem>> -> memref<128x64xf32, #tpu.memory_space<vmem>>
      %dma_wait3A_200 = arith.constant 0 : i32
      %dma_wait3A_201 = tpu.memref_slice %arg5[%add3A_15, %dma_wait3A_200] : memref<50x128xi32, #tpu.memory_space<vmem>> -> memref<1x128xi32, #tpu.memory_space<vmem>>
      %dma_wait3A_202 = tpu.memref_squeeze %dma_wait3A_201 : memref<1x128xi32, #tpu.memory_space<vmem>> -> memref<128xi32, #tpu.memory_space<vmem>>
      %dma_wait3A_203 = arith.constant 0 : i32
      %dma_wait3A_204 = arith.constant 0 : i32
      %dma_wait3A_205 = tpu.memref_slice %arg2[%dma_wait3A_203, %dma_wait3A_204] : memref<229376x64xf32, #tpu.memory_space<hbm>> -> memref<229376x64xf32, #tpu.memory_space<hbm>>
      tpu.wait_indirect_dma semaphore(%arg7 : memref<!tpu.dma_semaphore, #tpu.memory_space<semaphore_mem>>) src(%dma_wait3A_205 : memref<229376x64xf32, #tpu.memory_space<hbm>>) dst(%dma_wait3A_199 : memref<128x64xf32, #tpu.memory_space<vmem>>)
      %dma_wait3A_206 = arith.constant 0 : i32
      %dma_wait3A_207 = arith.constant 0 : i32
      %dma_wait3A_208 = arith.constant 0 : i32
      %dma_wait3A_209 = tpu.memref_slice %arg6[%dma_wait3A_206, %dma_wait3A_207, %dma_wait3A_208] : memref<2x640x64xf32, #tpu.memory_space<vmem>> -> memref<1x640x64xf32, #tpu.memory_space<vmem>>
      %dma_wait3A_210 = tpu.memref_squeeze %dma_wait3A_209 : memref<1x640x64xf32, #tpu.memory_space<vmem>> -> memref<640x64xf32, #tpu.memory_space<vmem>>
      %dma_wait3A_211 = arith.constant 128 : i32
      %dma_wait3A_212 = arith.constant 0 : i32
      %dma_wait3A_213 = tpu.memref_slice %dma_wait3A_210[%dma_wait3A_211, %dma_wait3A_212] : memref<640x64xf32, #tpu.memory_space<vmem>> -> memref<128x64xf32, #tpu.memory_space<vmem>>
      %dma_wait3A_214 = arith.constant 0 : i32
      %dma_wait3A_215 = tpu.memref_slice %arg5[%add3A_32, %dma_wait3A_214] : memref<50x128xi32, #tpu.memory_space<vmem>> -> memref<1x128xi32, #tpu.memory_space<vmem>>
      %dma_wait3A_216 = tpu.memref_squeeze %dma_wait3A_215 : memref<1x128xi32, #tpu.memory_space<vmem>> -> memref<128xi32, #tpu.memory_space<vmem>>
      %dma_wait3A_217 = arith.constant 0 : i32
      %dma_wait3A_218 = arith.constant 0 : i32
      %dma_wait3A_219 = tpu.memref_slice %arg2[%dma_wait3A_217, %dma_wait3A_218] : memref<229376x64xf32, #tpu.memory_space<hbm>> -> memref<229376x64xf32, #tpu.memory_space<hbm>>
      tpu.wait_indirect_dma semaphore(%arg7 : memref<!tpu.dma_semaphore, #tpu.memory_space<semaphore_mem>>) src(%dma_wait3A_219 : memref<229376x64xf32, #tpu.memory_space<hbm>>) dst(%dma_wait3A_213 : memref<128x64xf32, #tpu.memory_space<vmem>>)
      %dma_wait3A_220 = arith.constant 0 : i32
      %dma_wait3A_221 = arith.constant 0 : i32
      %dma_wait3A_222 = arith.constant 0 : i32
      %dma_wait3A_223 = tpu.memref_slice %arg6[%dma_wait3A_220, %dma_wait3A_221, %dma_wait3A_222] : memref<2x640x64xf32, #tpu.memory_space<vmem>> -> memref<1x640x64xf32, #tpu.memory_space<vmem>>
      %dma_wait3A_224 = tpu.memref_squeeze %dma_wait3A_223 : memref<1x640x64xf32, #tpu.memory_space<vmem>> -> memref<640x64xf32, #tpu.memory_space<vmem>>
      %dma_wait3A_225 = arith.constant 256 : i32
      %dma_wait3A_226 = arith.constant 0 : i32
      %dma_wait3A_227 = tpu.memref_slice %dma_wait3A_224[%dma_wait3A_225, %dma_wait3A_226] : memref<640x64xf32, #tpu.memory_space<vmem>> -> memref<128x64xf32, #tpu.memory_space<vmem>>
      %dma_wait3A_228 = arith.constant 0 : i32
      %dma_wait3A_229 = tpu.memref_slice %arg5[%add3A_50, %dma_wait3A_228] : memref<50x128xi32, #tpu.memory_space<vmem>> -> memref<1x128xi32, #tpu.memory_space<vmem>>
      %dma_wait3A_230 = tpu.memref_squeeze %dma_wait3A_229 : memref<1x128xi32, #tpu.memory_space<vmem>> -> memref<128xi32, #tpu.memory_space<vmem>>
      %dma_wait3A_231 = arith.constant 0 : i32
      %dma_wait3A_232 = arith.constant 0 : i32
      %dma_wait3A_233 = tpu.memref_slice %arg2[%dma_wait3A_231, %dma_wait3A_232] : memref<229376x64xf32, #tpu.memory_space<hbm>> -> memref<229376x64xf32, #tpu.memory_space<hbm>>
      tpu.wait_indirect_dma semaphore(%arg7 : memref<!tpu.dma_semaphore, #tpu.memory_space<semaphore_mem>>) src(%dma_wait3A_233 : memref<229376x64xf32, #tpu.memory_space<hbm>>) dst(%dma_wait3A_227 : memref<128x64xf32, #tpu.memory_space<vmem>>)
      %dma_wait3A_234 = arith.constant 0 : i32
      %dma_wait3A_235 = arith.constant 0 : i32
      %dma_wait3A_236 = arith.constant 0 : i32
      %dma_wait3A_237 = tpu.memref_slice %arg6[%dma_wait3A_234, %dma_wait3A_235, %dma_wait3A_236] : memref<2x640x64xf32, #tpu.memory_space<vmem>> -> memref<1x640x64xf32, #tpu.memory_space<vmem>>
      %dma_wait3A_238 = tpu.memref_squeeze %dma_wait3A_237 : memref<1x640x64xf32, #tpu.memory_space<vmem>> -> memref<640x64xf32, #tpu.memory_space<vmem>>
      %dma_wait3A_239 = arith.constant 384 : i32
      %dma_wait3A_240 = arith.constant 0 : i32
      %dma_wait3A_241 = tpu.memref_slice %dma_wait3A_238[%dma_wait3A_239, %dma_wait3A_240] : memref<640x64xf32, #tpu.memory_space<vmem>> -> memref<128x64xf32, #tpu.memory_space<vmem>>
      %dma_wait3A_242 = arith.constant 0 : i32
      %dma_wait3A_243 = tpu.memref_slice %arg5[%add3A_68, %dma_wait3A_242] : memref<50x128xi32, #tpu.memory_space<vmem>> -> memref<1x128xi32, #tpu.memory_space<vmem>>
      %dma_wait3A_244 = tpu.memref_squeeze %dma_wait3A_243 : memref<1x128xi32, #tpu.memory_space<vmem>> -> memref<128xi32, #tpu.memory_space<vmem>>
      %dma_wait3A_245 = arith.constant 0 : i32
      %dma_wait3A_246 = arith.constant 0 : i32
      %dma_wait3A_247 = tpu.memref_slice %arg2[%dma_wait3A_245, %dma_wait3A_246] : memref<229376x64xf32, #tpu.memory_space<hbm>> -> memref<229376x64xf32, #tpu.memory_space<hbm>>
      tpu.wait_indirect_dma semaphore(%arg7 : memref<!tpu.dma_semaphore, #tpu.memory_space<semaphore_mem>>) src(%dma_wait3A_247 : memref<229376x64xf32, #tpu.memory_space<hbm>>) dst(%dma_wait3A_241 : memref<128x64xf32, #tpu.memory_space<vmem>>)
      %dma_wait3A_248 = arith.constant 0 : i32
      %dma_wait3A_249 = arith.constant 0 : i32
      %dma_wait3A_250 = arith.constant 0 : i32
      %dma_wait3A_251 = tpu.memref_slice %arg6[%dma_wait3A_248, %dma_wait3A_249, %dma_wait3A_250] : memref<2x640x64xf32, #tpu.memory_space<vmem>> -> memref<1x640x64xf32, #tpu.memory_space<vmem>>
      %dma_wait3A_252 = tpu.memref_squeeze %dma_wait3A_251 : memref<1x640x64xf32, #tpu.memory_space<vmem>> -> memref<640x64xf32, #tpu.memory_space<vmem>>
      %dma_wait3A_253 = arith.constant 512 : i32
      %dma_wait3A_254 = arith.constant 0 : i32
      %dma_wait3A_255 = tpu.memref_slice %dma_wait3A_252[%dma_wait3A_253, %dma_wait3A_254] : memref<640x64xf32, #tpu.memory_space<vmem>> -> memref<128x64xf32, #tpu.memory_space<vmem>>
      %dma_wait3A_256 = arith.constant 0 : i32
      %dma_wait3A_257 = tpu.memref_slice %arg5[%add3A_86, %dma_wait3A_256] : memref<50x128xi32, #tpu.memory_space<vmem>> -> memref<1x128xi32, #tpu.memory_space<vmem>>
      %dma_wait3A_258 = tpu.memref_squeeze %dma_wait3A_257 : memref<1x128xi32, #tpu.memory_space<vmem>> -> memref<128xi32, #tpu.memory_space<vmem>>
      %dma_wait3A_259 = arith.constant 0 : i32
      %dma_wait3A_260 = arith.constant 0 : i32
      %dma_wait3A_261 = tpu.memref_slice %arg2[%dma_wait3A_259, %dma_wait3A_260] : memref<229376x64xf32, #tpu.memory_space<hbm>> -> memref<229376x64xf32, #tpu.memory_space<hbm>>
      tpu.wait_indirect_dma semaphore(%arg7 : memref<!tpu.dma_semaphore, #tpu.memory_space<semaphore_mem>>) src(%dma_wait3A_261 : memref<229376x64xf32, #tpu.memory_space<hbm>>) dst(%dma_wait3A_255 : memref<128x64xf32, #tpu.memory_space<vmem>>)
      %mul3A_262 = arith.constant 5 : i32
      %mul3A_263 = arith.muli %add3A_11, %mul3A_262 : i32
      %add3A_264 = arith.addi %mul3A_2, %mul3A_263 : i32
      %add3A_265 = arith.constant 0 : i32
      %add3A_266 = arith.addi %add3A_264, %add3A_265 : i32
      %rem3A = arith.constant 32 : i32
      %rem3A_267 = arith.remsi %add3A_266, %rem3A : i32
      %div3A = arith.constant 32 : i32
      %div3A_268 = arith.divsi %add3A_266, %div3A : i32
      %mul3A_269 = arith.constant 2048 : i32
      %mul3A_270 = arith.muli %div3A_268, %mul3A_269 : i32
      %rem3A_271 = arith.constant 16 : i32
      %rem3A_272 = arith.remsi %rem3A_267, %rem3A_271 : i32
      %mul3A_273 = arith.constant 128 : i32
      %mul3A_274 = arith.muli %rem3A_272, %mul3A_273 : i32
      %add3A_275 = arith.addi %mul3A_270, %mul3A_274 : i32
      %div3A_276 = arith.constant 16 : i32
      %div3A_277 = arith.divsi %rem3A_267, %div3A_276 : i32
      %mul3A_278 = arith.constant 64 : i32
      %mul3A_279 = arith.muli %div3A_277, %mul3A_278 : i32
      %run_scoped3A = arith.constant 0 : i32
      "tpu.region"() ({
        %run_scoped3A_541 = tpu.sem_alloc : memref<!tpu.dma_semaphore, #tpu.memory_space<semaphore_mem>>
        %dma_start3A_542 = arith.constant 0 : i32
        %dma_start3A_543 = arith.constant 0 : i32
        %dma_start3A_544 = tpu.memref_slice %arg6[%run_scoped3A, %dma_start3A_542, %dma_start3A_543] : memref<2x640x64xf32, #tpu.memory_space<vmem>> -> memref<1x640x64xf32, #tpu.memory_space<vmem>>
        %dma_start3A_545 = tpu.memref_squeeze %dma_start3A_544 : memref<1x640x64xf32, #tpu.memory_space<vmem>> -> memref<640x64xf32, #tpu.memory_space<vmem>>
        %dma_start3A_546 = arith.constant 0 : i32
        %dma_start3A_547 = arith.constant 0 : i32
        %dma_start3A_548 = tpu.memref_slice %dma_start3A_545[%dma_start3A_546, %dma_start3A_547] : memref<640x64xf32, #tpu.memory_space<vmem>> -> memref<128x64xf32, #tpu.memory_space<vmem>>
        %dma_start3A_549 = tpu.memref_slice %arg4[%add3A_275, %mul3A_279] : memref<102400x128xf32, #tpu.memory_space<hbm>> -> memref<128x64xf32, #tpu.memory_space<hbm>>
        %dma_start3A_550 = tpu.memref_slice %arg4[%add3A_275, %mul3A_279] : memref<102400x128xf32, #tpu.memory_space<hbm>> -> memref<128x64xf32, #tpu.memory_space<hbm>>
        %dma_start3A_551 = arith.constant 0 : i32
        %dma_start3A_552 = arith.constant 0 : i32
        %dma_start3A_553 = tpu.memref_slice %arg6[%run_scoped3A, %dma_start3A_551, %dma_start3A_552] : memref<2x640x64xf32, #tpu.memory_space<vmem>> -> memref<1x640x64xf32, #tpu.memory_space<vmem>>
        %dma_start3A_554 = tpu.memref_squeeze %dma_start3A_553 : memref<1x640x64xf32, #tpu.memory_space<vmem>> -> memref<640x64xf32, #tpu.memory_space<vmem>>
        %dma_start3A_555 = arith.constant 0 : i32
        %dma_start3A_556 = arith.constant 0 : i32
        %dma_start3A_557 = tpu.memref_slice %dma_start3A_554[%dma_start3A_555, %dma_start3A_556] : memref<640x64xf32, #tpu.memory_space<vmem>> -> memref<128x64xf32, #tpu.memory_space<vmem>>
        tpu.enqueue_dma source(%dma_start3A_557 : memref<128x64xf32, #tpu.memory_space<vmem>>) target(%dma_start3A_550 : memref<128x64xf32, #tpu.memory_space<hbm>>) target_semaphore(%run_scoped3A_541 : memref<!tpu.dma_semaphore, #tpu.memory_space<semaphore_mem>>)
        %dma_wait3A_558 = arith.constant 0 : i32
        %dma_wait3A_559 = arith.constant 0 : i32
        %dma_wait3A_560 = tpu.memref_slice %arg6[%run_scoped3A, %dma_wait3A_558, %dma_wait3A_559] : memref<2x640x64xf32, #tpu.memory_space<vmem>> -> memref<1x640x64xf32, #tpu.memory_space<vmem>>
        %dma_wait3A_561 = tpu.memref_squeeze %dma_wait3A_560 : memref<1x640x64xf32, #tpu.memory_space<vmem>> -> memref<640x64xf32, #tpu.memory_space<vmem>>
        %dma_wait3A_562 = arith.constant 0 : i32
        %dma_wait3A_563 = arith.constant 0 : i32
        %dma_wait3A_564 = tpu.memref_slice %dma_wait3A_561[%dma_wait3A_562, %dma_wait3A_563] : memref<640x64xf32, #tpu.memory_space<vmem>> -> memref<128x64xf32, #tpu.memory_space<vmem>>
        %dma_wait3A_565 = tpu.memref_slice %arg4[%add3A_275, %mul3A_279] : memref<102400x128xf32, #tpu.memory_space<hbm>> -> memref<128x64xf32, #tpu.memory_space<hbm>>
        %dma_wait3A_566 = tpu.memref_slice %arg4[%add3A_275, %mul3A_279] : memref<102400x128xf32, #tpu.memory_space<hbm>> -> memref<128x64xf32, #tpu.memory_space<hbm>>
        %dma_wait3A_567 = arith.constant 0 : i32
        %dma_wait3A_568 = arith.constant 0 : i32
        %dma_wait3A_569 = tpu.memref_slice %arg6[%run_scoped3A, %dma_wait3A_567, %dma_wait3A_568] : memref<2x640x64xf32, #tpu.memory_space<vmem>> -> memref<1x640x64xf32, #tpu.memory_space<vmem>>
        %dma_wait3A_570 = tpu.memref_squeeze %dma_wait3A_569 : memref<1x640x64xf32, #tpu.memory_space<vmem>> -> memref<640x64xf32, #tpu.memory_space<vmem>>
        %dma_wait3A_571 = arith.constant 0 : i32
        %dma_wait3A_572 = arith.constant 0 : i32
        %dma_wait3A_573 = tpu.memref_slice %dma_wait3A_570[%dma_wait3A_571, %dma_wait3A_572] : memref<640x64xf32, #tpu.memory_space<vmem>> -> memref<128x64xf32, #tpu.memory_space<vmem>>
        tpu.wait_dma2 semaphore(%run_scoped3A_541 : memref<!tpu.dma_semaphore, #tpu.memory_space<semaphore_mem>>) src(%dma_wait3A_573 : memref<128x64xf32, #tpu.memory_space<vmem>>) dst(%dma_wait3A_566 : memref<128x64xf32, #tpu.memory_space<hbm>>)
        tpu.yield
      }) : () -> ()
      %mul3A_280 = arith.constant 5 : i32
      %mul3A_281 = arith.muli %add3A_11, %mul3A_280 : i32
      %add3A_282 = arith.addi %mul3A_2, %mul3A_281 : i32
      %add3A_283 = arith.constant 1 : i32
      %add3A_284 = arith.addi %add3A_282, %add3A_283 : i32
      %rem3A_285 = arith.constant 32 : i32
      %rem3A_286 = arith.remsi %add3A_284, %rem3A_285 : i32
      %div3A_287 = arith.constant 32 : i32
      %div3A_288 = arith.divsi %add3A_284, %div3A_287 : i32
      %mul3A_289 = arith.constant 2048 : i32
      %mul3A_290 = arith.muli %div3A_288, %mul3A_289 : i32
      %rem3A_291 = arith.constant 16 : i32
      %rem3A_292 = arith.remsi %rem3A_286, %rem3A_291 : i32
      %mul3A_293 = arith.constant 128 : i32
      %mul3A_294 = arith.muli %rem3A_292, %mul3A_293 : i32
      %add3A_295 = arith.addi %mul3A_290, %mul3A_294 : i32
      %div3A_296 = arith.constant 16 : i32
      %div3A_297 = arith.divsi %rem3A_286, %div3A_296 : i32
      %mul3A_298 = arith.constant 64 : i32
      %mul3A_299 = arith.muli %div3A_297, %mul3A_298 : i32
      %run_scoped3A_300 = arith.constant 0 : i32
      "tpu.region"() ({
        %run_scoped3A_541 = tpu.sem_alloc : memref<!tpu.dma_semaphore, #tpu.memory_space<semaphore_mem>>
        %dma_start3A_542 = arith.constant 0 : i32
        %dma_start3A_543 = arith.constant 0 : i32
        %dma_start3A_544 = tpu.memref_slice %arg6[%run_scoped3A_300, %dma_start3A_542, %dma_start3A_543] : memref<2x640x64xf32, #tpu.memory_space<vmem>> -> memref<1x640x64xf32, #tpu.memory_space<vmem>>
        %dma_start3A_545 = tpu.memref_squeeze %dma_start3A_544 : memref<1x640x64xf32, #tpu.memory_space<vmem>> -> memref<640x64xf32, #tpu.memory_space<vmem>>
        %dma_start3A_546 = arith.constant 128 : i32
        %dma_start3A_547 = arith.constant 0 : i32
        %dma_start3A_548 = tpu.memref_slice %dma_start3A_545[%dma_start3A_546, %dma_start3A_547] : memref<640x64xf32, #tpu.memory_space<vmem>> -> memref<128x64xf32, #tpu.memory_space<vmem>>
        %dma_start3A_549 = tpu.memref_slice %arg4[%add3A_295, %mul3A_299] : memref<102400x128xf32, #tpu.memory_space<hbm>> -> memref<128x64xf32, #tpu.memory_space<hbm>>
        %dma_start3A_550 = tpu.memref_slice %arg4[%add3A_295, %mul3A_299] : memref<102400x128xf32, #tpu.memory_space<hbm>> -> memref<128x64xf32, #tpu.memory_space<hbm>>
        %dma_start3A_551 = arith.constant 0 : i32
        %dma_start3A_552 = arith.constant 0 : i32
        %dma_start3A_553 = tpu.memref_slice %arg6[%run_scoped3A_300, %dma_start3A_551, %dma_start3A_552] : memref<2x640x64xf32, #tpu.memory_space<vmem>> -> memref<1x640x64xf32, #tpu.memory_space<vmem>>
        %dma_start3A_554 = tpu.memref_squeeze %dma_start3A_553 : memref<1x640x64xf32, #tpu.memory_space<vmem>> -> memref<640x64xf32, #tpu.memory_space<vmem>>
        %dma_start3A_555 = arith.constant 128 : i32
        %dma_start3A_556 = arith.constant 0 : i32
        %dma_start3A_557 = tpu.memref_slice %dma_start3A_554[%dma_start3A_555, %dma_start3A_556] : memref<640x64xf32, #tpu.memory_space<vmem>> -> memref<128x64xf32, #tpu.memory_space<vmem>>
        tpu.enqueue_dma source(%dma_start3A_557 : memref<128x64xf32, #tpu.memory_space<vmem>>) target(%dma_start3A_550 : memref<128x64xf32, #tpu.memory_space<hbm>>) target_semaphore(%run_scoped3A_541 : memref<!tpu.dma_semaphore, #tpu.memory_space<semaphore_mem>>)
        %dma_wait3A_558 = arith.constant 0 : i32
        %dma_wait3A_559 = arith.constant 0 : i32
        %dma_wait3A_560 = tpu.memref_slice %arg6[%run_scoped3A_300, %dma_wait3A_558, %dma_wait3A_559] : memref<2x640x64xf32, #tpu.memory_space<vmem>> -> memref<1x640x64xf32, #tpu.memory_space<vmem>>
        %dma_wait3A_561 = tpu.memref_squeeze %dma_wait3A_560 : memref<1x640x64xf32, #tpu.memory_space<vmem>> -> memref<640x64xf32, #tpu.memory_space<vmem>>
        %dma_wait3A_562 = arith.constant 128 : i32
        %dma_wait3A_563 = arith.constant 0 : i32
        %dma_wait3A_564 = tpu.memref_slice %dma_wait3A_561[%dma_wait3A_562, %dma_wait3A_563] : memref<640x64xf32, #tpu.memory_space<vmem>> -> memref<128x64xf32, #tpu.memory_space<vmem>>
        %dma_wait3A_565 = tpu.memref_slice %arg4[%add3A_295, %mul3A_299] : memref<102400x128xf32, #tpu.memory_space<hbm>> -> memref<128x64xf32, #tpu.memory_space<hbm>>
        %dma_wait3A_566 = tpu.memref_slice %arg4[%add3A_295, %mul3A_299] : memref<102400x128xf32, #tpu.memory_space<hbm>> -> memref<128x64xf32, #tpu.memory_space<hbm>>
        %dma_wait3A_567 = arith.constant 0 : i32
        %dma_wait3A_568 = arith.constant 0 : i32
        %dma_wait3A_569 = tpu.memref_slice %arg6[%run_scoped3A_300, %dma_wait3A_567, %dma_wait3A_568] : memref<2x640x64xf32, #tpu.memory_space<vmem>> -> memref<1x640x64xf32, #tpu.memory_space<vmem>>
        %dma_wait3A_570 = tpu.memref_squeeze %dma_wait3A_569 : memref<1x640x64xf32, #tpu.memory_space<vmem>> -> memref<640x64xf32, #tpu.memory_space<vmem>>
        %dma_wait3A_571 = arith.constant 128 : i32
        %dma_wait3A_572 = arith.constant 0 : i32
        %dma_wait3A_573 = tpu.memref_slice %dma_wait3A_570[%dma_wait3A_571, %dma_wait3A_572] : memref<640x64xf32, #tpu.memory_space<vmem>> -> memref<128x64xf32, #tpu.memory_space<vmem>>
        tpu.wait_dma2 semaphore(%run_scoped3A_541 : memref<!tpu.dma_semaphore, #tpu.memory_space<semaphore_mem>>) src(%dma_wait3A_573 : memref<128x64xf32, #tpu.memory_space<vmem>>) dst(%dma_wait3A_566 : memref<128x64xf32, #tpu.memory_space<hbm>>)
        tpu.yield
      }) : () -> ()
      %mul3A_301 = arith.constant 5 : i32
      %mul3A_302 = arith.muli %add3A_11, %mul3A_301 : i32
      %add3A_303 = arith.addi %mul3A_2, %mul3A_302 : i32
      %add3A_304 = arith.constant 2 : i32
      %add3A_305 = arith.addi %add3A_303, %add3A_304 : i32
      %rem3A_306 = arith.constant 32 : i32
      %rem3A_307 = arith.remsi %add3A_305, %rem3A_306 : i32
      %div3A_308 = arith.constant 32 : i32
      %div3A_309 = arith.divsi %add3A_305, %div3A_308 : i32
      %mul3A_310 = arith.constant 2048 : i32
      %mul3A_311 = arith.muli %div3A_309, %mul3A_310 : i32
      %rem3A_312 = arith.constant 16 : i32
      %rem3A_313 = arith.remsi %rem3A_307, %rem3A_312 : i32
      %mul3A_314 = arith.constant 128 : i32
      %mul3A_315 = arith.muli %rem3A_313, %mul3A_314 : i32
      %add3A_316 = arith.addi %mul3A_311, %mul3A_315 : i32
      %div3A_317 = arith.constant 16 : i32
      %div3A_318 = arith.divsi %rem3A_307, %div3A_317 : i32
      %mul3A_319 = arith.constant 64 : i32
      %mul3A_320 = arith.muli %div3A_318, %mul3A_319 : i32
      %run_scoped3A_321 = arith.constant 0 : i32
      "tpu.region"() ({
        %run_scoped3A_541 = tpu.sem_alloc : memref<!tpu.dma_semaphore, #tpu.memory_space<semaphore_mem>>
        %dma_start3A_542 = arith.constant 0 : i32
        %dma_start3A_543 = arith.constant 0 : i32
        %dma_start3A_544 = tpu.memref_slice %arg6[%run_scoped3A_321, %dma_start3A_542, %dma_start3A_543] : memref<2x640x64xf32, #tpu.memory_space<vmem>> -> memref<1x640x64xf32, #tpu.memory_space<vmem>>
        %dma_start3A_545 = tpu.memref_squeeze %dma_start3A_544 : memref<1x640x64xf32, #tpu.memory_space<vmem>> -> memref<640x64xf32, #tpu.memory_space<vmem>>
        %dma_start3A_546 = arith.constant 256 : i32
        %dma_start3A_547 = arith.constant 0 : i32
        %dma_start3A_548 = tpu.memref_slice %dma_start3A_545[%dma_start3A_546, %dma_start3A_547] : memref<640x64xf32, #tpu.memory_space<vmem>> -> memref<128x64xf32, #tpu.memory_space<vmem>>
        %dma_start3A_549 = tpu.memref_slice %arg4[%add3A_316, %mul3A_320] : memref<102400x128xf32, #tpu.memory_space<hbm>> -> memref<128x64xf32, #tpu.memory_space<hbm>>
        %dma_start3A_550 = tpu.memref_slice %arg4[%add3A_316, %mul3A_320] : memref<102400x128xf32, #tpu.memory_space<hbm>> -> memref<128x64xf32, #tpu.memory_space<hbm>>
        %dma_start3A_551 = arith.constant 0 : i32
        %dma_start3A_552 = arith.constant 0 : i32
        %dma_start3A_553 = tpu.memref_slice %arg6[%run_scoped3A_321, %dma_start3A_551, %dma_start3A_552] : memref<2x640x64xf32, #tpu.memory_space<vmem>> -> memref<1x640x64xf32, #tpu.memory_space<vmem>>
        %dma_start3A_554 = tpu.memref_squeeze %dma_start3A_553 : memref<1x640x64xf32, #tpu.memory_space<vmem>> -> memref<640x64xf32, #tpu.memory_space<vmem>>
        %dma_start3A_555 = arith.constant 256 : i32
        %dma_start3A_556 = arith.constant 0 : i32
        %dma_start3A_557 = tpu.memref_slice %dma_start3A_554[%dma_start3A_555, %dma_start3A_556] : memref<640x64xf32, #tpu.memory_space<vmem>> -> memref<128x64xf32, #tpu.memory_space<vmem>>
        tpu.enqueue_dma source(%dma_start3A_557 : memref<128x64xf32, #tpu.memory_space<vmem>>) target(%dma_start3A_550 : memref<128x64xf32, #tpu.memory_space<hbm>>) target_semaphore(%run_scoped3A_541 : memref<!tpu.dma_semaphore, #tpu.memory_space<semaphore_mem>>)
        %dma_wait3A_558 = arith.constant 0 : i32
        %dma_wait3A_559 = arith.constant 0 : i32
        %dma_wait3A_560 = tpu.memref_slice %arg6[%run_scoped3A_321, %dma_wait3A_558, %dma_wait3A_559] : memref<2x640x64xf32, #tpu.memory_space<vmem>> -> memref<1x640x64xf32, #tpu.memory_space<vmem>>
        %dma_wait3A_561 = tpu.memref_squeeze %dma_wait3A_560 : memref<1x640x64xf32, #tpu.memory_space<vmem>> -> memref<640x64xf32, #tpu.memory_space<vmem>>
        %dma_wait3A_562 = arith.constant 256 : i32
        %dma_wait3A_563 = arith.constant 0 : i32
        %dma_wait3A_564 = tpu.memref_slice %dma_wait3A_561[%dma_wait3A_562, %dma_wait3A_563] : memref<640x64xf32, #tpu.memory_space<vmem>> -> memref<128x64xf32, #tpu.memory_space<vmem>>
        %dma_wait3A_565 = tpu.memref_slice %arg4[%add3A_316, %mul3A_320] : memref<102400x128xf32, #tpu.memory_space<hbm>> -> memref<128x64xf32, #tpu.memory_space<hbm>>
        %dma_wait3A_566 = tpu.memref_slice %arg4[%add3A_316, %mul3A_320] : memref<102400x128xf32, #tpu.memory_space<hbm>> -> memref<128x64xf32, #tpu.memory_space<hbm>>
        %dma_wait3A_567 = arith.constant 0 : i32
        %dma_wait3A_568 = arith.constant 0 : i32
        %dma_wait3A_569 = tpu.memref_slice %arg6[%run_scoped3A_321, %dma_wait3A_567, %dma_wait3A_568] : memref<2x640x64xf32, #tpu.memory_space<vmem>> -> memref<1x640x64xf32, #tpu.memory_space<vmem>>
        %dma_wait3A_570 = tpu.memref_squeeze %dma_wait3A_569 : memref<1x640x64xf32, #tpu.memory_space<vmem>> -> memref<640x64xf32, #tpu.memory_space<vmem>>
        %dma_wait3A_571 = arith.constant 256 : i32
        %dma_wait3A_572 = arith.constant 0 : i32
        %dma_wait3A_573 = tpu.memref_slice %dma_wait3A_570[%dma_wait3A_571, %dma_wait3A_572] : memref<640x64xf32, #tpu.memory_space<vmem>> -> memref<128x64xf32, #tpu.memory_space<vmem>>
        tpu.wait_dma2 semaphore(%run_scoped3A_541 : memref<!tpu.dma_semaphore, #tpu.memory_space<semaphore_mem>>) src(%dma_wait3A_573 : memref<128x64xf32, #tpu.memory_space<vmem>>) dst(%dma_wait3A_566 : memref<128x64xf32, #tpu.memory_space<hbm>>)
        tpu.yield
      }) : () -> ()
      %mul3A_322 = arith.constant 5 : i32
      %mul3A_323 = arith.muli %add3A_11, %mul3A_322 : i32
      %add3A_324 = arith.addi %mul3A_2, %mul3A_323 : i32
      %add3A_325 = arith.constant 3 : i32
      %add3A_326 = arith.addi %add3A_324, %add3A_325 : i32
      %rem3A_327 = arith.constant 32 : i32
      %rem3A_328 = arith.remsi %add3A_326, %rem3A_327 : i32
      %div3A_329 = arith.constant 32 : i32
      %div3A_330 = arith.divsi %add3A_326, %div3A_329 : i32
      %mul3A_331 = arith.constant 2048 : i32
      %mul3A_332 = arith.muli %div3A_330, %mul3A_331 : i32
      %rem3A_333 = arith.constant 16 : i32
      %rem3A_334 = arith.remsi %rem3A_328, %rem3A_333 : i32
      %mul3A_335 = arith.constant 128 : i32
      %mul3A_336 = arith.muli %rem3A_334, %mul3A_335 : i32
      %add3A_337 = arith.addi %mul3A_332, %mul3A_336 : i32
      %div3A_338 = arith.constant 16 : i32
      %div3A_339 = arith.divsi %rem3A_328, %div3A_338 : i32
      %mul3A_340 = arith.constant 64 : i32
      %mul3A_341 = arith.muli %div3A_339, %mul3A_340 : i32
      %run_scoped3A_342 = arith.constant 0 : i32
      "tpu.region"() ({
        %run_scoped3A_541 = tpu.sem_alloc : memref<!tpu.dma_semaphore, #tpu.memory_space<semaphore_mem>>
        %dma_start3A_542 = arith.constant 0 : i32
        %dma_start3A_543 = arith.constant 0 : i32
        %dma_start3A_544 = tpu.memref_slice %arg6[%run_scoped3A_342, %dma_start3A_542, %dma_start3A_543] : memref<2x640x64xf32, #tpu.memory_space<vmem>> -> memref<1x640x64xf32, #tpu.memory_space<vmem>>
        %dma_start3A_545 = tpu.memref_squeeze %dma_start3A_544 : memref<1x640x64xf32, #tpu.memory_space<vmem>> -> memref<640x64xf32, #tpu.memory_space<vmem>>
        %dma_start3A_546 = arith.constant 384 : i32
        %dma_start3A_547 = arith.constant 0 : i32
        %dma_start3A_548 = tpu.memref_slice %dma_start3A_545[%dma_start3A_546, %dma_start3A_547] : memref<640x64xf32, #tpu.memory_space<vmem>> -> memref<128x64xf32, #tpu.memory_space<vmem>>
        %dma_start3A_549 = tpu.memref_slice %arg4[%add3A_337, %mul3A_341] : memref<102400x128xf32, #tpu.memory_space<hbm>> -> memref<128x64xf32, #tpu.memory_space<hbm>>
        %dma_start3A_550 = tpu.memref_slice %arg4[%add3A_337, %mul3A_341] : memref<102400x128xf32, #tpu.memory_space<hbm>> -> memref<128x64xf32, #tpu.memory_space<hbm>>
        %dma_start3A_551 = arith.constant 0 : i32
        %dma_start3A_552 = arith.constant 0 : i32
        %dma_start3A_553 = tpu.memref_slice %arg6[%run_scoped3A_342, %dma_start3A_551, %dma_start3A_552] : memref<2x640x64xf32, #tpu.memory_space<vmem>> -> memref<1x640x64xf32, #tpu.memory_space<vmem>>
        %dma_start3A_554 = tpu.memref_squeeze %dma_start3A_553 : memref<1x640x64xf32, #tpu.memory_space<vmem>> -> memref<640x64xf32, #tpu.memory_space<vmem>>
        %dma_start3A_555 = arith.constant 384 : i32
        %dma_start3A_556 = arith.constant 0 : i32
        %dma_start3A_557 = tpu.memref_slice %dma_start3A_554[%dma_start3A_555, %dma_start3A_556] : memref<640x64xf32, #tpu.memory_space<vmem>> -> memref<128x64xf32, #tpu.memory_space<vmem>>
        tpu.enqueue_dma source(%dma_start3A_557 : memref<128x64xf32, #tpu.memory_space<vmem>>) target(%dma_start3A_550 : memref<128x64xf32, #tpu.memory_space<hbm>>) target_semaphore(%run_scoped3A_541 : memref<!tpu.dma_semaphore, #tpu.memory_space<semaphore_mem>>)
        %dma_wait3A_558 = arith.constant 0 : i32
        %dma_wait3A_559 = arith.constant 0 : i32
        %dma_wait3A_560 = tpu.memref_slice %arg6[%run_scoped3A_342, %dma_wait3A_558, %dma_wait3A_559] : memref<2x640x64xf32, #tpu.memory_space<vmem>> -> memref<1x640x64xf32, #tpu.memory_space<vmem>>
        %dma_wait3A_561 = tpu.memref_squeeze %dma_wait3A_560 : memref<1x640x64xf32, #tpu.memory_space<vmem>> -> memref<640x64xf32, #tpu.memory_space<vmem>>
        %dma_wait3A_562 = arith.constant 384 : i32
        %dma_wait3A_563 = arith.constant 0 : i32
        %dma_wait3A_564 = tpu.memref_slice %dma_wait3A_561[%dma_wait3A_562, %dma_wait3A_563] : memref<640x64xf32, #tpu.memory_space<vmem>> -> memref<128x64xf32, #tpu.memory_space<vmem>>
        %dma_wait3A_565 = tpu.memref_slice %arg4[%add3A_337, %mul3A_341] : memref<102400x128xf32, #tpu.memory_space<hbm>> -> memref<128x64xf32, #tpu.memory_space<hbm>>
        %dma_wait3A_566 = tpu.memref_slice %arg4[%add3A_337, %mul3A_341] : memref<102400x128xf32, #tpu.memory_space<hbm>> -> memref<128x64xf32, #tpu.memory_space<hbm>>
        %dma_wait3A_567 = arith.constant 0 : i32
        %dma_wait3A_568 = arith.constant 0 : i32
        %dma_wait3A_569 = tpu.memref_slice %arg6[%run_scoped3A_342, %dma_wait3A_567, %dma_wait3A_568] : memref<2x640x64xf32, #tpu.memory_space<vmem>> -> memref<1x640x64xf32, #tpu.memory_space<vmem>>
        %dma_wait3A_570 = tpu.memref_squeeze %dma_wait3A_569 : memref<1x640x64xf32, #tpu.memory_space<vmem>> -> memref<640x64xf32, #tpu.memory_space<vmem>>
        %dma_wait3A_571 = arith.constant 384 : i32
        %dma_wait3A_572 = arith.constant 0 : i32
        %dma_wait3A_573 = tpu.memref_slice %dma_wait3A_570[%dma_wait3A_571, %dma_wait3A_572] : memref<640x64xf32, #tpu.memory_space<vmem>> -> memref<128x64xf32, #tpu.memory_space<vmem>>
        tpu.wait_dma2 semaphore(%run_scoped3A_541 : memref<!tpu.dma_semaphore, #tpu.memory_space<semaphore_mem>>) src(%dma_wait3A_573 : memref<128x64xf32, #tpu.memory_space<vmem>>) dst(%dma_wait3A_566 : memref<128x64xf32, #tpu.memory_space<hbm>>)
        tpu.yield
      }) : () -> ()
      %mul3A_343 = arith.constant 5 : i32
      %mul3A_344 = arith.muli %add3A_11, %mul3A_343 : i32
      %add3A_345 = arith.addi %mul3A_2, %mul3A_344 : i32
      %add3A_346 = arith.constant 4 : i32
      %add3A_347 = arith.addi %add3A_345, %add3A_346 : i32
      %rem3A_348 = arith.constant 32 : i32
      %rem3A_349 = arith.remsi %add3A_347, %rem3A_348 : i32
      %div3A_350 = arith.constant 32 : i32
      %div3A_351 = arith.divsi %add3A_347, %div3A_350 : i32
      %mul3A_352 = arith.constant 2048 : i32
      %mul3A_353 = arith.muli %div3A_351, %mul3A_352 : i32
      %rem3A_354 = arith.constant 16 : i32
      %rem3A_355 = arith.remsi %rem3A_349, %rem3A_354 : i32
      %mul3A_356 = arith.constant 128 : i32
      %mul3A_357 = arith.muli %rem3A_355, %mul3A_356 : i32
      %add3A_358 = arith.addi %mul3A_353, %mul3A_357 : i32
      %div3A_359 = arith.constant 16 : i32
      %div3A_360 = arith.divsi %rem3A_349, %div3A_359 : i32
      %mul3A_361 = arith.constant 64 : i32
      %mul3A_362 = arith.muli %div3A_360, %mul3A_361 : i32
      %run_scoped3A_363 = arith.constant 0 : i32
      "tpu.region"() ({
        %run_scoped3A_541 = tpu.sem_alloc : memref<!tpu.dma_semaphore, #tpu.memory_space<semaphore_mem>>
        %dma_start3A_542 = arith.constant 0 : i32
        %dma_start3A_543 = arith.constant 0 : i32
        %dma_start3A_544 = tpu.memref_slice %arg6[%run_scoped3A_363, %dma_start3A_542, %dma_start3A_543] : memref<2x640x64xf32, #tpu.memory_space<vmem>> -> memref<1x640x64xf32, #tpu.memory_space<vmem>>
        %dma_start3A_545 = tpu.memref_squeeze %dma_start3A_544 : memref<1x640x64xf32, #tpu.memory_space<vmem>> -> memref<640x64xf32, #tpu.memory_space<vmem>>
        %dma_start3A_546 = arith.constant 512 : i32
        %dma_start3A_547 = arith.constant 0 : i32
        %dma_start3A_548 = tpu.memref_slice %dma_start3A_545[%dma_start3A_546, %dma_start3A_547] : memref<640x64xf32, #tpu.memory_space<vmem>> -> memref<128x64xf32, #tpu.memory_space<vmem>>
        %dma_start3A_549 = tpu.memref_slice %arg4[%add3A_358, %mul3A_362] : memref<102400x128xf32, #tpu.memory_space<hbm>> -> memref<128x64xf32, #tpu.memory_space<hbm>>
        %dma_start3A_550 = tpu.memref_slice %arg4[%add3A_358, %mul3A_362] : memref<102400x128xf32, #tpu.memory_space<hbm>> -> memref<128x64xf32, #tpu.memory_space<hbm>>
        %dma_start3A_551 = arith.constant 0 : i32
        %dma_start3A_552 = arith.constant 0 : i32
        %dma_start3A_553 = tpu.memref_slice %arg6[%run_scoped3A_363, %dma_start3A_551, %dma_start3A_552] : memref<2x640x64xf32, #tpu.memory_space<vmem>> -> memref<1x640x64xf32, #tpu.memory_space<vmem>>
        %dma_start3A_554 = tpu.memref_squeeze %dma_start3A_553 : memref<1x640x64xf32, #tpu.memory_space<vmem>> -> memref<640x64xf32, #tpu.memory_space<vmem>>
        %dma_start3A_555 = arith.constant 512 : i32
        %dma_start3A_556 = arith.constant 0 : i32
        %dma_start3A_557 = tpu.memref_slice %dma_start3A_554[%dma_start3A_555, %dma_start3A_556] : memref<640x64xf32, #tpu.memory_space<vmem>> -> memref<128x64xf32, #tpu.memory_space<vmem>>
        tpu.enqueue_dma source(%dma_start3A_557 : memref<128x64xf32, #tpu.memory_space<vmem>>) target(%dma_start3A_550 : memref<128x64xf32, #tpu.memory_space<hbm>>) target_semaphore(%run_scoped3A_541 : memref<!tpu.dma_semaphore, #tpu.memory_space<semaphore_mem>>)
        %dma_wait3A_558 = arith.constant 0 : i32
        %dma_wait3A_559 = arith.constant 0 : i32
        %dma_wait3A_560 = tpu.memref_slice %arg6[%run_scoped3A_363, %dma_wait3A_558, %dma_wait3A_559] : memref<2x640x64xf32, #tpu.memory_space<vmem>> -> memref<1x640x64xf32, #tpu.memory_space<vmem>>
        %dma_wait3A_561 = tpu.memref_squeeze %dma_wait3A_560 : memref<1x640x64xf32, #tpu.memory_space<vmem>> -> memref<640x64xf32, #tpu.memory_space<vmem>>
        %dma_wait3A_562 = arith.constant 512 : i32
        %dma_wait3A_563 = arith.constant 0 : i32
        %dma_wait3A_564 = tpu.memref_slice %dma_wait3A_561[%dma_wait3A_562, %dma_wait3A_563] : memref<640x64xf32, #tpu.memory_space<vmem>> -> memref<128x64xf32, #tpu.memory_space<vmem>>
        %dma_wait3A_565 = tpu.memref_slice %arg4[%add3A_358, %mul3A_362] : memref<102400x128xf32, #tpu.memory_space<hbm>> -> memref<128x64xf32, #tpu.memory_space<hbm>>
        %dma_wait3A_566 = tpu.memref_slice %arg4[%add3A_358, %mul3A_362] : memref<102400x128xf32, #tpu.memory_space<hbm>> -> memref<128x64xf32, #tpu.memory_space<hbm>>
        %dma_wait3A_567 = arith.constant 0 : i32
        %dma_wait3A_568 = arith.constant 0 : i32
        %dma_wait3A_569 = tpu.memref_slice %arg6[%run_scoped3A_363, %dma_wait3A_567, %dma_wait3A_568] : memref<2x640x64xf32, #tpu.memory_space<vmem>> -> memref<1x640x64xf32, #tpu.memory_space<vmem>>
        %dma_wait3A_570 = tpu.memref_squeeze %dma_wait3A_569 : memref<1x640x64xf32, #tpu.memory_space<vmem>> -> memref<640x64xf32, #tpu.memory_space<vmem>>
        %dma_wait3A_571 = arith.constant 512 : i32
        %dma_wait3A_572 = arith.constant 0 : i32
        %dma_wait3A_573 = tpu.memref_slice %dma_wait3A_570[%dma_wait3A_571, %dma_wait3A_572] : memref<640x64xf32, #tpu.memory_space<vmem>> -> memref<128x64xf32, #tpu.memory_space<vmem>>
        tpu.wait_dma2 semaphore(%run_scoped3A_541 : memref<!tpu.dma_semaphore, #tpu.memory_space<semaphore_mem>>) src(%dma_wait3A_573 : memref<128x64xf32, #tpu.memory_space<vmem>>) dst(%dma_wait3A_566 : memref<128x64xf32, #tpu.memory_space<hbm>>)
        tpu.yield
      }) : () -> ()
      %dma_wait3A_364 = arith.constant 1 : i32
      %dma_wait3A_365 = arith.constant 0 : i32
      %dma_wait3A_366 = arith.constant 0 : i32
      %dma_wait3A_367 = tpu.memref_slice %arg6[%dma_wait3A_364, %dma_wait3A_365, %dma_wait3A_366] : memref<2x640x64xf32, #tpu.memory_space<vmem>> -> memref<1x640x64xf32, #tpu.memory_space<vmem>>
      %dma_wait3A_368 = tpu.memref_squeeze %dma_wait3A_367 : memref<1x640x64xf32, #tpu.memory_space<vmem>> -> memref<640x64xf32, #tpu.memory_space<vmem>>
      %dma_wait3A_369 = arith.constant 0 : i32
      %dma_wait3A_370 = arith.constant 0 : i32
      %dma_wait3A_371 = tpu.memref_slice %dma_wait3A_368[%dma_wait3A_369, %dma_wait3A_370] : memref<640x64xf32, #tpu.memory_space<vmem>> -> memref<128x64xf32, #tpu.memory_space<vmem>>
      %dma_wait3A_372 = arith.constant 0 : i32
      %dma_wait3A_373 = tpu.memref_slice %arg5[%add3A_106, %dma_wait3A_372] : memref<50x128xi32, #tpu.memory_space<vmem>> -> memref<1x128xi32, #tpu.memory_space<vmem>>
      %dma_wait3A_374 = tpu.memref_squeeze %dma_wait3A_373 : memref<1x128xi32, #tpu.memory_space<vmem>> -> memref<128xi32, #tpu.memory_space<vmem>>
      %dma_wait3A_375 = arith.constant 0 : i32
      %dma_wait3A_376 = arith.constant 0 : i32
      %dma_wait3A_377 = tpu.memref_slice %arg2[%dma_wait3A_375, %dma_wait3A_376] : memref<229376x64xf32, #tpu.memory_space<hbm>> -> memref<229376x64xf32, #tpu.memory_space<hbm>>
      tpu.wait_indirect_dma semaphore(%arg8 : memref<!tpu.dma_semaphore, #tpu.memory_space<semaphore_mem>>) src(%dma_wait3A_377 : memref<229376x64xf32, #tpu.memory_space<hbm>>) dst(%dma_wait3A_371 : memref<128x64xf32, #tpu.memory_space<vmem>>)
      %dma_wait3A_378 = arith.constant 1 : i32
      %dma_wait3A_379 = arith.constant 0 : i32
      %dma_wait3A_380 = arith.constant 0 : i32
      %dma_wait3A_381 = tpu.memref_slice %arg6[%dma_wait3A_378, %dma_wait3A_379, %dma_wait3A_380] : memref<2x640x64xf32, #tpu.memory_space<vmem>> -> memref<1x640x64xf32, #tpu.memory_space<vmem>>
      %dma_wait3A_382 = tpu.memref_squeeze %dma_wait3A_381 : memref<1x640x64xf32, #tpu.memory_space<vmem>> -> memref<640x64xf32, #tpu.memory_space<vmem>>
      %dma_wait3A_383 = arith.constant 128 : i32
      %dma_wait3A_384 = arith.constant 0 : i32
      %dma_wait3A_385 = tpu.memref_slice %dma_wait3A_382[%dma_wait3A_383, %dma_wait3A_384] : memref<640x64xf32, #tpu.memory_space<vmem>> -> memref<128x64xf32, #tpu.memory_space<vmem>>
      %dma_wait3A_386 = arith.constant 0 : i32
      %dma_wait3A_387 = tpu.memref_slice %arg5[%add3A_124, %dma_wait3A_386] : memref<50x128xi32, #tpu.memory_space<vmem>> -> memref<1x128xi32, #tpu.memory_space<vmem>>
      %dma_wait3A_388 = tpu.memref_squeeze %dma_wait3A_387 : memref<1x128xi32, #tpu.memory_space<vmem>> -> memref<128xi32, #tpu.memory_space<vmem>>
      %dma_wait3A_389 = arith.constant 0 : i32
      %dma_wait3A_390 = arith.constant 0 : i32
      %dma_wait3A_391 = tpu.memref_slice %arg2[%dma_wait3A_389, %dma_wait3A_390] : memref<229376x64xf32, #tpu.memory_space<hbm>> -> memref<229376x64xf32, #tpu.memory_space<hbm>>
      tpu.wait_indirect_dma semaphore(%arg8 : memref<!tpu.dma_semaphore, #tpu.memory_space<semaphore_mem>>) src(%dma_wait3A_391 : memref<229376x64xf32, #tpu.memory_space<hbm>>) dst(%dma_wait3A_385 : memref<128x64xf32, #tpu.memory_space<vmem>>)
      %dma_wait3A_392 = arith.constant 1 : i32
      %dma_wait3A_393 = arith.constant 0 : i32
      %dma_wait3A_394 = arith.constant 0 : i32
      %dma_wait3A_395 = tpu.memref_slice %arg6[%dma_wait3A_392, %dma_wait3A_393, %dma_wait3A_394] : memref<2x640x64xf32, #tpu.memory_space<vmem>> -> memref<1x640x64xf32, #tpu.memory_space<vmem>>
      %dma_wait3A_396 = tpu.memref_squeeze %dma_wait3A_395 : memref<1x640x64xf32, #tpu.memory_space<vmem>> -> memref<640x64xf32, #tpu.memory_space<vmem>>
      %dma_wait3A_397 = arith.constant 256 : i32
      %dma_wait3A_398 = arith.constant 0 : i32
      %dma_wait3A_399 = tpu.memref_slice %dma_wait3A_396[%dma_wait3A_397, %dma_wait3A_398] : memref<640x64xf32, #tpu.memory_space<vmem>> -> memref<128x64xf32, #tpu.memory_space<vmem>>
      %dma_wait3A_400 = arith.constant 0 : i32
      %dma_wait3A_401 = tpu.memref_slice %arg5[%add3A_142, %dma_wait3A_400] : memref<50x128xi32, #tpu.memory_space<vmem>> -> memref<1x128xi32, #tpu.memory_space<vmem>>
      %dma_wait3A_402 = tpu.memref_squeeze %dma_wait3A_401 : memref<1x128xi32, #tpu.memory_space<vmem>> -> memref<128xi32, #tpu.memory_space<vmem>>
      %dma_wait3A_403 = arith.constant 0 : i32
      %dma_wait3A_404 = arith.constant 0 : i32
      %dma_wait3A_405 = tpu.memref_slice %arg2[%dma_wait3A_403, %dma_wait3A_404] : memref<229376x64xf32, #tpu.memory_space<hbm>> -> memref<229376x64xf32, #tpu.memory_space<hbm>>
      tpu.wait_indirect_dma semaphore(%arg8 : memref<!tpu.dma_semaphore, #tpu.memory_space<semaphore_mem>>) src(%dma_wait3A_405 : memref<229376x64xf32, #tpu.memory_space<hbm>>) dst(%dma_wait3A_399 : memref<128x64xf32, #tpu.memory_space<vmem>>)
      %dma_wait3A_406 = arith.constant 1 : i32
      %dma_wait3A_407 = arith.constant 0 : i32
      %dma_wait3A_408 = arith.constant 0 : i32
      %dma_wait3A_409 = tpu.memref_slice %arg6[%dma_wait3A_406, %dma_wait3A_407, %dma_wait3A_408] : memref<2x640x64xf32, #tpu.memory_space<vmem>> -> memref<1x640x64xf32, #tpu.memory_space<vmem>>
      %dma_wait3A_410 = tpu.memref_squeeze %dma_wait3A_409 : memref<1x640x64xf32, #tpu.memory_space<vmem>> -> memref<640x64xf32, #tpu.memory_space<vmem>>
      %dma_wait3A_411 = arith.constant 384 : i32
      %dma_wait3A_412 = arith.constant 0 : i32
      %dma_wait3A_413 = tpu.memref_slice %dma_wait3A_410[%dma_wait3A_411, %dma_wait3A_412] : memref<640x64xf32, #tpu.memory_space<vmem>> -> memref<128x64xf32, #tpu.memory_space<vmem>>
      %dma_wait3A_414 = arith.constant 0 : i32
      %dma_wait3A_415 = tpu.memref_slice %arg5[%add3A_160, %dma_wait3A_414] : memref<50x128xi32, #tpu.memory_space<vmem>> -> memref<1x128xi32, #tpu.memory_space<vmem>>
      %dma_wait3A_416 = tpu.memref_squeeze %dma_wait3A_415 : memref<1x128xi32, #tpu.memory_space<vmem>> -> memref<128xi32, #tpu.memory_space<vmem>>
      %dma_wait3A_417 = arith.constant 0 : i32
      %dma_wait3A_418 = arith.constant 0 : i32
      %dma_wait3A_419 = tpu.memref_slice %arg2[%dma_wait3A_417, %dma_wait3A_418] : memref<229376x64xf32, #tpu.memory_space<hbm>> -> memref<229376x64xf32, #tpu.memory_space<hbm>>
      tpu.wait_indirect_dma semaphore(%arg8 : memref<!tpu.dma_semaphore, #tpu.memory_space<semaphore_mem>>) src(%dma_wait3A_419 : memref<229376x64xf32, #tpu.memory_space<hbm>>) dst(%dma_wait3A_413 : memref<128x64xf32, #tpu.memory_space<vmem>>)
      %dma_wait3A_420 = arith.constant 1 : i32
      %dma_wait3A_421 = arith.constant 0 : i32
      %dma_wait3A_422 = arith.constant 0 : i32
      %dma_wait3A_423 = tpu.memref_slice %arg6[%dma_wait3A_420, %dma_wait3A_421, %dma_wait3A_422] : memref<2x640x64xf32, #tpu.memory_space<vmem>> -> memref<1x640x64xf32, #tpu.memory_space<vmem>>
      %dma_wait3A_424 = tpu.memref_squeeze %dma_wait3A_423 : memref<1x640x64xf32, #tpu.memory_space<vmem>> -> memref<640x64xf32, #tpu.memory_space<vmem>>
      %dma_wait3A_425 = arith.constant 512 : i32
      %dma_wait3A_426 = arith.constant 0 : i32
      %dma_wait3A_427 = tpu.memref_slice %dma_wait3A_424[%dma_wait3A_425, %dma_wait3A_426] : memref<640x64xf32, #tpu.memory_space<vmem>> -> memref<128x64xf32, #tpu.memory_space<vmem>>
      %dma_wait3A_428 = arith.constant 0 : i32
      %dma_wait3A_429 = tpu.memref_slice %arg5[%add3A_178, %dma_wait3A_428] : memref<50x128xi32, #tpu.memory_space<vmem>> -> memref<1x128xi32, #tpu.memory_space<vmem>>
      %dma_wait3A_430 = tpu.memref_squeeze %dma_wait3A_429 : memref<1x128xi32, #tpu.memory_space<vmem>> -> memref<128xi32, #tpu.memory_space<vmem>>
      %dma_wait3A_431 = arith.constant 0 : i32
      %dma_wait3A_432 = arith.constant 0 : i32
      %dma_wait3A_433 = tpu.memref_slice %arg2[%dma_wait3A_431, %dma_wait3A_432] : memref<229376x64xf32, #tpu.memory_space<hbm>> -> memref<229376x64xf32, #tpu.memory_space<hbm>>
      tpu.wait_indirect_dma semaphore(%arg8 : memref<!tpu.dma_semaphore, #tpu.memory_space<semaphore_mem>>) src(%dma_wait3A_433 : memref<229376x64xf32, #tpu.memory_space<hbm>>) dst(%dma_wait3A_427 : memref<128x64xf32, #tpu.memory_space<vmem>>)
      %add3A_434 = arith.constant 1 : i32
      %add3A_435 = arith.addi %add3A_11, %add3A_434 : i32
      %mul3A_436 = arith.constant 5 : i32
      %mul3A_437 = arith.muli %add3A_435, %mul3A_436 : i32
      %add3A_438 = arith.addi %mul3A_2, %mul3A_437 : i32
      %add3A_439 = arith.constant 0 : i32
      %add3A_440 = arith.addi %add3A_438, %add3A_439 : i32
      %rem3A_441 = arith.constant 32 : i32
      %rem3A_442 = arith.remsi %add3A_440, %rem3A_441 : i32
      %div3A_443 = arith.constant 32 : i32
      %div3A_444 = arith.divsi %add3A_440, %div3A_443 : i32
      %mul3A_445 = arith.constant 2048 : i32
      %mul3A_446 = arith.muli %div3A_444, %mul3A_445 : i32
      %rem3A_447 = arith.constant 16 : i32
      %rem3A_448 = arith.remsi %rem3A_442, %rem3A_447 : i32
      %mul3A_449 = arith.constant 128 : i32
      %mul3A_450 = arith.muli %rem3A_448, %mul3A_449 : i32
      %add3A_451 = arith.addi %mul3A_446, %mul3A_450 : i32
      %div3A_452 = arith.constant 16 : i32
      %div3A_453 = arith.divsi %rem3A_442, %div3A_452 : i32
      %mul3A_454 = arith.constant 64 : i32
      %mul3A_455 = arith.muli %div3A_453, %mul3A_454 : i32
      %run_scoped3A_456 = arith.constant 1 : i32
      "tpu.region"() ({
        %run_scoped3A_541 = tpu.sem_alloc : memref<!tpu.dma_semaphore, #tpu.memory_space<semaphore_mem>>
        %dma_start3A_542 = arith.constant 0 : i32
        %dma_start3A_543 = arith.constant 0 : i32
        %dma_start3A_544 = tpu.memref_slice %arg6[%run_scoped3A_456, %dma_start3A_542, %dma_start3A_543] : memref<2x640x64xf32, #tpu.memory_space<vmem>> -> memref<1x640x64xf32, #tpu.memory_space<vmem>>
        %dma_start3A_545 = tpu.memref_squeeze %dma_start3A_544 : memref<1x640x64xf32, #tpu.memory_space<vmem>> -> memref<640x64xf32, #tpu.memory_space<vmem>>
        %dma_start3A_546 = arith.constant 0 : i32
        %dma_start3A_547 = arith.constant 0 : i32
        %dma_start3A_548 = tpu.memref_slice %dma_start3A_545[%dma_start3A_546, %dma_start3A_547] : memref<640x64xf32, #tpu.memory_space<vmem>> -> memref<128x64xf32, #tpu.memory_space<vmem>>
        %dma_start3A_549 = tpu.memref_slice %arg4[%add3A_451, %mul3A_455] : memref<102400x128xf32, #tpu.memory_space<hbm>> -> memref<128x64xf32, #tpu.memory_space<hbm>>
        %dma_start3A_550 = tpu.memref_slice %arg4[%add3A_451, %mul3A_455] : memref<102400x128xf32, #tpu.memory_space<hbm>> -> memref<128x64xf32, #tpu.memory_space<hbm>>
        %dma_start3A_551 = arith.constant 0 : i32
        %dma_start3A_552 = arith.constant 0 : i32
        %dma_start3A_553 = tpu.memref_slice %arg6[%run_scoped3A_456, %dma_start3A_551, %dma_start3A_552] : memref<2x640x64xf32, #tpu.memory_space<vmem>> -> memref<1x640x64xf32, #tpu.memory_space<vmem>>
        %dma_start3A_554 = tpu.memref_squeeze %dma_start3A_553 : memref<1x640x64xf32, #tpu.memory_space<vmem>> -> memref<640x64xf32, #tpu.memory_space<vmem>>
        %dma_start3A_555 = arith.constant 0 : i32
        %dma_start3A_556 = arith.constant 0 : i32
        %dma_start3A_557 = tpu.memref_slice %dma_start3A_554[%dma_start3A_555, %dma_start3A_556] : memref<640x64xf32, #tpu.memory_space<vmem>> -> memref<128x64xf32, #tpu.memory_space<vmem>>
        tpu.enqueue_dma source(%dma_start3A_557 : memref<128x64xf32, #tpu.memory_space<vmem>>) target(%dma_start3A_550 : memref<128x64xf32, #tpu.memory_space<hbm>>) target_semaphore(%run_scoped3A_541 : memref<!tpu.dma_semaphore, #tpu.memory_space<semaphore_mem>>)
        %dma_wait3A_558 = arith.constant 0 : i32
        %dma_wait3A_559 = arith.constant 0 : i32
        %dma_wait3A_560 = tpu.memref_slice %arg6[%run_scoped3A_456, %dma_wait3A_558, %dma_wait3A_559] : memref<2x640x64xf32, #tpu.memory_space<vmem>> -> memref<1x640x64xf32, #tpu.memory_space<vmem>>
        %dma_wait3A_561 = tpu.memref_squeeze %dma_wait3A_560 : memref<1x640x64xf32, #tpu.memory_space<vmem>> -> memref<640x64xf32, #tpu.memory_space<vmem>>
        %dma_wait3A_562 = arith.constant 0 : i32
        %dma_wait3A_563 = arith.constant 0 : i32
        %dma_wait3A_564 = tpu.memref_slice %dma_wait3A_561[%dma_wait3A_562, %dma_wait3A_563] : memref<640x64xf32, #tpu.memory_space<vmem>> -> memref<128x64xf32, #tpu.memory_space<vmem>>
        %dma_wait3A_565 = tpu.memref_slice %arg4[%add3A_451, %mul3A_455] : memref<102400x128xf32, #tpu.memory_space<hbm>> -> memref<128x64xf32, #tpu.memory_space<hbm>>
        %dma_wait3A_566 = tpu.memref_slice %arg4[%add3A_451, %mul3A_455] : memref<102400x128xf32, #tpu.memory_space<hbm>> -> memref<128x64xf32, #tpu.memory_space<hbm>>
        %dma_wait3A_567 = arith.constant 0 : i32
        %dma_wait3A_568 = arith.constant 0 : i32
        %dma_wait3A_569 = tpu.memref_slice %arg6[%run_scoped3A_456, %dma_wait3A_567, %dma_wait3A_568] : memref<2x640x64xf32, #tpu.memory_space<vmem>> -> memref<1x640x64xf32, #tpu.memory_space<vmem>>
        %dma_wait3A_570 = tpu.memref_squeeze %dma_wait3A_569 : memref<1x640x64xf32, #tpu.memory_space<vmem>> -> memref<640x64xf32, #tpu.memory_space<vmem>>
        %dma_wait3A_571 = arith.constant 0 : i32
        %dma_wait3A_572 = arith.constant 0 : i32
        %dma_wait3A_573 = tpu.memref_slice %dma_wait3A_570[%dma_wait3A_571, %dma_wait3A_572] : memref<640x64xf32, #tpu.memory_space<vmem>> -> memref<128x64xf32, #tpu.memory_space<vmem>>
        tpu.wait_dma2 semaphore(%run_scoped3A_541 : memref<!tpu.dma_semaphore, #tpu.memory_space<semaphore_mem>>) src(%dma_wait3A_573 : memref<128x64xf32, #tpu.memory_space<vmem>>) dst(%dma_wait3A_566 : memref<128x64xf32, #tpu.memory_space<hbm>>)
        tpu.yield
      }) : () -> ()
      %mul3A_457 = arith.constant 5 : i32
      %mul3A_458 = arith.muli %add3A_435, %mul3A_457 : i32
      %add3A_459 = arith.addi %mul3A_2, %mul3A_458 : i32
      %add3A_460 = arith.constant 1 : i32
      %add3A_461 = arith.addi %add3A_459, %add3A_460 : i32
      %rem3A_462 = arith.constant 32 : i32
      %rem3A_463 = arith.remsi %add3A_461, %rem3A_462 : i32
      %div3A_464 = arith.constant 32 : i32
      %div3A_465 = arith.divsi %add3A_461, %div3A_464 : i32
      %mul3A_466 = arith.constant 2048 : i32
      %mul3A_467 = arith.muli %div3A_465, %mul3A_466 : i32
      %rem3A_468 = arith.constant 16 : i32
      %rem3A_469 = arith.remsi %rem3A_463, %rem3A_468 : i32
      %mul3A_470 = arith.constant 128 : i32
      %mul3A_471 = arith.muli %rem3A_469, %mul3A_470 : i32
      %add3A_472 = arith.addi %mul3A_467, %mul3A_471 : i32
      %div3A_473 = arith.constant 16 : i32
      %div3A_474 = arith.divsi %rem3A_463, %div3A_473 : i32
      %mul3A_475 = arith.constant 64 : i32
      %mul3A_476 = arith.muli %div3A_474, %mul3A_475 : i32
      %run_scoped3A_477 = arith.constant 1 : i32
      "tpu.region"() ({
        %run_scoped3A_541 = tpu.sem_alloc : memref<!tpu.dma_semaphore, #tpu.memory_space<semaphore_mem>>
        %dma_start3A_542 = arith.constant 0 : i32
        %dma_start3A_543 = arith.constant 0 : i32
        %dma_start3A_544 = tpu.memref_slice %arg6[%run_scoped3A_477, %dma_start3A_542, %dma_start3A_543] : memref<2x640x64xf32, #tpu.memory_space<vmem>> -> memref<1x640x64xf32, #tpu.memory_space<vmem>>
        %dma_start3A_545 = tpu.memref_squeeze %dma_start3A_544 : memref<1x640x64xf32, #tpu.memory_space<vmem>> -> memref<640x64xf32, #tpu.memory_space<vmem>>
        %dma_start3A_546 = arith.constant 128 : i32
        %dma_start3A_547 = arith.constant 0 : i32
        %dma_start3A_548 = tpu.memref_slice %dma_start3A_545[%dma_start3A_546, %dma_start3A_547] : memref<640x64xf32, #tpu.memory_space<vmem>> -> memref<128x64xf32, #tpu.memory_space<vmem>>
        %dma_start3A_549 = tpu.memref_slice %arg4[%add3A_472, %mul3A_476] : memref<102400x128xf32, #tpu.memory_space<hbm>> -> memref<128x64xf32, #tpu.memory_space<hbm>>
        %dma_start3A_550 = tpu.memref_slice %arg4[%add3A_472, %mul3A_476] : memref<102400x128xf32, #tpu.memory_space<hbm>> -> memref<128x64xf32, #tpu.memory_space<hbm>>
        %dma_start3A_551 = arith.constant 0 : i32
        %dma_start3A_552 = arith.constant 0 : i32
        %dma_start3A_553 = tpu.memref_slice %arg6[%run_scoped3A_477, %dma_start3A_551, %dma_start3A_552] : memref<2x640x64xf32, #tpu.memory_space<vmem>> -> memref<1x640x64xf32, #tpu.memory_space<vmem>>
        %dma_start3A_554 = tpu.memref_squeeze %dma_start3A_553 : memref<1x640x64xf32, #tpu.memory_space<vmem>> -> memref<640x64xf32, #tpu.memory_space<vmem>>
        %dma_start3A_555 = arith.constant 128 : i32
        %dma_start3A_556 = arith.constant 0 : i32
        %dma_start3A_557 = tpu.memref_slice %dma_start3A_554[%dma_start3A_555, %dma_start3A_556] : memref<640x64xf32, #tpu.memory_space<vmem>> -> memref<128x64xf32, #tpu.memory_space<vmem>>
        tpu.enqueue_dma source(%dma_start3A_557 : memref<128x64xf32, #tpu.memory_space<vmem>>) target(%dma_start3A_550 : memref<128x64xf32, #tpu.memory_space<hbm>>) target_semaphore(%run_scoped3A_541 : memref<!tpu.dma_semaphore, #tpu.memory_space<semaphore_mem>>)
        %dma_wait3A_558 = arith.constant 0 : i32
        %dma_wait3A_559 = arith.constant 0 : i32
        %dma_wait3A_560 = tpu.memref_slice %arg6[%run_scoped3A_477, %dma_wait3A_558, %dma_wait3A_559] : memref<2x640x64xf32, #tpu.memory_space<vmem>> -> memref<1x640x64xf32, #tpu.memory_space<vmem>>
        %dma_wait3A_561 = tpu.memref_squeeze %dma_wait3A_560 : memref<1x640x64xf32, #tpu.memory_space<vmem>> -> memref<640x64xf32, #tpu.memory_space<vmem>>
        %dma_wait3A_562 = arith.constant 128 : i32
        %dma_wait3A_563 = arith.constant 0 : i32
        %dma_wait3A_564 = tpu.memref_slice %dma_wait3A_561[%dma_wait3A_562, %dma_wait3A_563] : memref<640x64xf32, #tpu.memory_space<vmem>> -> memref<128x64xf32, #tpu.memory_space<vmem>>
        %dma_wait3A_565 = tpu.memref_slice %arg4[%add3A_472, %mul3A_476] : memref<102400x128xf32, #tpu.memory_space<hbm>> -> memref<128x64xf32, #tpu.memory_space<hbm>>
        %dma_wait3A_566 = tpu.memref_slice %arg4[%add3A_472, %mul3A_476] : memref<102400x128xf32, #tpu.memory_space<hbm>> -> memref<128x64xf32, #tpu.memory_space<hbm>>
        %dma_wait3A_567 = arith.constant 0 : i32
        %dma_wait3A_568 = arith.constant 0 : i32
        %dma_wait3A_569 = tpu.memref_slice %arg6[%run_scoped3A_477, %dma_wait3A_567, %dma_wait3A_568] : memref<2x640x64xf32, #tpu.memory_space<vmem>> -> memref<1x640x64xf32, #tpu.memory_space<vmem>>
        %dma_wait3A_570 = tpu.memref_squeeze %dma_wait3A_569 : memref<1x640x64xf32, #tpu.memory_space<vmem>> -> memref<640x64xf32, #tpu.memory_space<vmem>>
        %dma_wait3A_571 = arith.constant 128 : i32
        %dma_wait3A_572 = arith.constant 0 : i32
        %dma_wait3A_573 = tpu.memref_slice %dma_wait3A_570[%dma_wait3A_571, %dma_wait3A_572] : memref<640x64xf32, #tpu.memory_space<vmem>> -> memref<128x64xf32, #tpu.memory_space<vmem>>
        tpu.wait_dma2 semaphore(%run_scoped3A_541 : memref<!tpu.dma_semaphore, #tpu.memory_space<semaphore_mem>>) src(%dma_wait3A_573 : memref<128x64xf32, #tpu.memory_space<vmem>>) dst(%dma_wait3A_566 : memref<128x64xf32, #tpu.memory_space<hbm>>)
        tpu.yield
      }) : () -> ()
      %mul3A_478 = arith.constant 5 : i32
      %mul3A_479 = arith.muli %add3A_435, %mul3A_478 : i32
      %add3A_480 = arith.addi %mul3A_2, %mul3A_479 : i32
      %add3A_481 = arith.constant 2 : i32
      %add3A_482 = arith.addi %add3A_480, %add3A_481 : i32
      %rem3A_483 = arith.constant 32 : i32
      %rem3A_484 = arith.remsi %add3A_482, %rem3A_483 : i32
      %div3A_485 = arith.constant 32 : i32
      %div3A_486 = arith.divsi %add3A_482, %div3A_485 : i32
      %mul3A_487 = arith.constant 2048 : i32
      %mul3A_488 = arith.muli %div3A_486, %mul3A_487 : i32
      %rem3A_489 = arith.constant 16 : i32
      %rem3A_490 = arith.remsi %rem3A_484, %rem3A_489 : i32
      %mul3A_491 = arith.constant 128 : i32
      %mul3A_492 = arith.muli %rem3A_490, %mul3A_491 : i32
      %add3A_493 = arith.addi %mul3A_488, %mul3A_492 : i32
      %div3A_494 = arith.constant 16 : i32
      %div3A_495 = arith.divsi %rem3A_484, %div3A_494 : i32
      %mul3A_496 = arith.constant 64 : i32
      %mul3A_497 = arith.muli %div3A_495, %mul3A_496 : i32
      %run_scoped3A_498 = arith.constant 1 : i32
      "tpu.region"() ({
        %run_scoped3A_541 = tpu.sem_alloc : memref<!tpu.dma_semaphore, #tpu.memory_space<semaphore_mem>>
        %dma_start3A_542 = arith.constant 0 : i32
        %dma_start3A_543 = arith.constant 0 : i32
        %dma_start3A_544 = tpu.memref_slice %arg6[%run_scoped3A_498, %dma_start3A_542, %dma_start3A_543] : memref<2x640x64xf32, #tpu.memory_space<vmem>> -> memref<1x640x64xf32, #tpu.memory_space<vmem>>
        %dma_start3A_545 = tpu.memref_squeeze %dma_start3A_544 : memref<1x640x64xf32, #tpu.memory_space<vmem>> -> memref<640x64xf32, #tpu.memory_space<vmem>>
        %dma_start3A_546 = arith.constant 256 : i32
        %dma_start3A_547 = arith.constant 0 : i32
        %dma_start3A_548 = tpu.memref_slice %dma_start3A_545[%dma_start3A_546, %dma_start3A_547] : memref<640x64xf32, #tpu.memory_space<vmem>> -> memref<128x64xf32, #tpu.memory_space<vmem>>
        %dma_start3A_549 = tpu.memref_slice %arg4[%add3A_493, %mul3A_497] : memref<102400x128xf32, #tpu.memory_space<hbm>> -> memref<128x64xf32, #tpu.memory_space<hbm>>
        %dma_start3A_550 = tpu.memref_slice %arg4[%add3A_493, %mul3A_497] : memref<102400x128xf32, #tpu.memory_space<hbm>> -> memref<128x64xf32, #tpu.memory_space<hbm>>
        %dma_start3A_551 = arith.constant 0 : i32
        %dma_start3A_552 = arith.constant 0 : i32
        %dma_start3A_553 = tpu.memref_slice %arg6[%run_scoped3A_498, %dma_start3A_551, %dma_start3A_552] : memref<2x640x64xf32, #tpu.memory_space<vmem>> -> memref<1x640x64xf32, #tpu.memory_space<vmem>>
        %dma_start3A_554 = tpu.memref_squeeze %dma_start3A_553 : memref<1x640x64xf32, #tpu.memory_space<vmem>> -> memref<640x64xf32, #tpu.memory_space<vmem>>
        %dma_start3A_555 = arith.constant 256 : i32
        %dma_start3A_556 = arith.constant 0 : i32
        %dma_start3A_557 = tpu.memref_slice %dma_start3A_554[%dma_start3A_555, %dma_start3A_556] : memref<640x64xf32, #tpu.memory_space<vmem>> -> memref<128x64xf32, #tpu.memory_space<vmem>>
        tpu.enqueue_dma source(%dma_start3A_557 : memref<128x64xf32, #tpu.memory_space<vmem>>) target(%dma_start3A_550 : memref<128x64xf32, #tpu.memory_space<hbm>>) target_semaphore(%run_scoped3A_541 : memref<!tpu.dma_semaphore, #tpu.memory_space<semaphore_mem>>)
        %dma_wait3A_558 = arith.constant 0 : i32
        %dma_wait3A_559 = arith.constant 0 : i32
        %dma_wait3A_560 = tpu.memref_slice %arg6[%run_scoped3A_498, %dma_wait3A_558, %dma_wait3A_559] : memref<2x640x64xf32, #tpu.memory_space<vmem>> -> memref<1x640x64xf32, #tpu.memory_space<vmem>>
        %dma_wait3A_561 = tpu.memref_squeeze %dma_wait3A_560 : memref<1x640x64xf32, #tpu.memory_space<vmem>> -> memref<640x64xf32, #tpu.memory_space<vmem>>
        %dma_wait3A_562 = arith.constant 256 : i32
        %dma_wait3A_563 = arith.constant 0 : i32
        %dma_wait3A_564 = tpu.memref_slice %dma_wait3A_561[%dma_wait3A_562, %dma_wait3A_563] : memref<640x64xf32, #tpu.memory_space<vmem>> -> memref<128x64xf32, #tpu.memory_space<vmem>>
        %dma_wait3A_565 = tpu.memref_slice %arg4[%add3A_493, %mul3A_497] : memref<102400x128xf32, #tpu.memory_space<hbm>> -> memref<128x64xf32, #tpu.memory_space<hbm>>
        %dma_wait3A_566 = tpu.memref_slice %arg4[%add3A_493, %mul3A_497] : memref<102400x128xf32, #tpu.memory_space<hbm>> -> memref<128x64xf32, #tpu.memory_space<hbm>>
        %dma_wait3A_567 = arith.constant 0 : i32
        %dma_wait3A_568 = arith.constant 0 : i32
        %dma_wait3A_569 = tpu.memref_slice %arg6[%run_scoped3A_498, %dma_wait3A_567, %dma_wait3A_568] : memref<2x640x64xf32, #tpu.memory_space<vmem>> -> memref<1x640x64xf32, #tpu.memory_space<vmem>>
        %dma_wait3A_570 = tpu.memref_squeeze %dma_wait3A_569 : memref<1x640x64xf32, #tpu.memory_space<vmem>> -> memref<640x64xf32, #tpu.memory_space<vmem>>
        %dma_wait3A_571 = arith.constant 256 : i32
        %dma_wait3A_572 = arith.constant 0 : i32
        %dma_wait3A_573 = tpu.memref_slice %dma_wait3A_570[%dma_wait3A_571, %dma_wait3A_572] : memref<640x64xf32, #tpu.memory_space<vmem>> -> memref<128x64xf32, #tpu.memory_space<vmem>>
        tpu.wait_dma2 semaphore(%run_scoped3A_541 : memref<!tpu.dma_semaphore, #tpu.memory_space<semaphore_mem>>) src(%dma_wait3A_573 : memref<128x64xf32, #tpu.memory_space<vmem>>) dst(%dma_wait3A_566 : memref<128x64xf32, #tpu.memory_space<hbm>>)
        tpu.yield
      }) : () -> ()
      %mul3A_499 = arith.constant 5 : i32
      %mul3A_500 = arith.muli %add3A_435, %mul3A_499 : i32
      %add3A_501 = arith.addi %mul3A_2, %mul3A_500 : i32
      %add3A_502 = arith.constant 3 : i32
      %add3A_503 = arith.addi %add3A_501, %add3A_502 : i32
      %rem3A_504 = arith.constant 32 : i32
      %rem3A_505 = arith.remsi %add3A_503, %rem3A_504 : i32
      %div3A_506 = arith.constant 32 : i32
      %div3A_507 = arith.divsi %add3A_503, %div3A_506 : i32
      %mul3A_508 = arith.constant 2048 : i32
      %mul3A_509 = arith.muli %div3A_507, %mul3A_508 : i32
      %rem3A_510 = arith.constant 16 : i32
      %rem3A_511 = arith.remsi %rem3A_505, %rem3A_510 : i32
      %mul3A_512 = arith.constant 128 : i32
      %mul3A_513 = arith.muli %rem3A_511, %mul3A_512 : i32
      %add3A_514 = arith.addi %mul3A_509, %mul3A_513 : i32
      %div3A_515 = arith.constant 16 : i32
      %div3A_516 = arith.divsi %rem3A_505, %div3A_515 : i32
      %mul3A_517 = arith.constant 64 : i32
      %mul3A_518 = arith.muli %div3A_516, %mul3A_517 : i32
      %run_scoped3A_519 = arith.constant 1 : i32
      "tpu.region"() ({
        %run_scoped3A_541 = tpu.sem_alloc : memref<!tpu.dma_semaphore, #tpu.memory_space<semaphore_mem>>
        %dma_start3A_542 = arith.constant 0 : i32
        %dma_start3A_543 = arith.constant 0 : i32
        %dma_start3A_544 = tpu.memref_slice %arg6[%run_scoped3A_519, %dma_start3A_542, %dma_start3A_543] : memref<2x640x64xf32, #tpu.memory_space<vmem>> -> memref<1x640x64xf32, #tpu.memory_space<vmem>>
        %dma_start3A_545 = tpu.memref_squeeze %dma_start3A_544 : memref<1x640x64xf32, #tpu.memory_space<vmem>> -> memref<640x64xf32, #tpu.memory_space<vmem>>
        %dma_start3A_546 = arith.constant 384 : i32
        %dma_start3A_547 = arith.constant 0 : i32
        %dma_start3A_548 = tpu.memref_slice %dma_start3A_545[%dma_start3A_546, %dma_start3A_547] : memref<640x64xf32, #tpu.memory_space<vmem>> -> memref<128x64xf32, #tpu.memory_space<vmem>>
        %dma_start3A_549 = tpu.memref_slice %arg4[%add3A_514, %mul3A_518] : memref<102400x128xf32, #tpu.memory_space<hbm>> -> memref<128x64xf32, #tpu.memory_space<hbm>>
        %dma_start3A_550 = tpu.memref_slice %arg4[%add3A_514, %mul3A_518] : memref<102400x128xf32, #tpu.memory_space<hbm>> -> memref<128x64xf32, #tpu.memory_space<hbm>>
        %dma_start3A_551 = arith.constant 0 : i32
        %dma_start3A_552 = arith.constant 0 : i32
        %dma_start3A_553 = tpu.memref_slice %arg6[%run_scoped3A_519, %dma_start3A_551, %dma_start3A_552] : memref<2x640x64xf32, #tpu.memory_space<vmem>> -> memref<1x640x64xf32, #tpu.memory_space<vmem>>
        %dma_start3A_554 = tpu.memref_squeeze %dma_start3A_553 : memref<1x640x64xf32, #tpu.memory_space<vmem>> -> memref<640x64xf32, #tpu.memory_space<vmem>>
        %dma_start3A_555 = arith.constant 384 : i32
        %dma_start3A_556 = arith.constant 0 : i32
        %dma_start3A_557 = tpu.memref_slice %dma_start3A_554[%dma_start3A_555, %dma_start3A_556] : memref<640x64xf32, #tpu.memory_space<vmem>> -> memref<128x64xf32, #tpu.memory_space<vmem>>
        tpu.enqueue_dma source(%dma_start3A_557 : memref<128x64xf32, #tpu.memory_space<vmem>>) target(%dma_start3A_550 : memref<128x64xf32, #tpu.memory_space<hbm>>) target_semaphore(%run_scoped3A_541 : memref<!tpu.dma_semaphore, #tpu.memory_space<semaphore_mem>>)
        %dma_wait3A_558 = arith.constant 0 : i32
        %dma_wait3A_559 = arith.constant 0 : i32
        %dma_wait3A_560 = tpu.memref_slice %arg6[%run_scoped3A_519, %dma_wait3A_558, %dma_wait3A_559] : memref<2x640x64xf32, #tpu.memory_space<vmem>> -> memref<1x640x64xf32, #tpu.memory_space<vmem>>
        %dma_wait3A_561 = tpu.memref_squeeze %dma_wait3A_560 : memref<1x640x64xf32, #tpu.memory_space<vmem>> -> memref<640x64xf32, #tpu.memory_space<vmem>>
        %dma_wait3A_562 = arith.constant 384 : i32
        %dma_wait3A_563 = arith.constant 0 : i32
        %dma_wait3A_564 = tpu.memref_slice %dma_wait3A_561[%dma_wait3A_562, %dma_wait3A_563] : memref<640x64xf32, #tpu.memory_space<vmem>> -> memref<128x64xf32, #tpu.memory_space<vmem>>
        %dma_wait3A_565 = tpu.memref_slice %arg4[%add3A_514, %mul3A_518] : memref<102400x128xf32, #tpu.memory_space<hbm>> -> memref<128x64xf32, #tpu.memory_space<hbm>>
        %dma_wait3A_566 = tpu.memref_slice %arg4[%add3A_514, %mul3A_518] : memref<102400x128xf32, #tpu.memory_space<hbm>> -> memref<128x64xf32, #tpu.memory_space<hbm>>
        %dma_wait3A_567 = arith.constant 0 : i32
        %dma_wait3A_568 = arith.constant 0 : i32
        %dma_wait3A_569 = tpu.memref_slice %arg6[%run_scoped3A_519, %dma_wait3A_567, %dma_wait3A_568] : memref<2x640x64xf32, #tpu.memory_space<vmem>> -> memref<1x640x64xf32, #tpu.memory_space<vmem>>
        %dma_wait3A_570 = tpu.memref_squeeze %dma_wait3A_569 : memref<1x640x64xf32, #tpu.memory_space<vmem>> -> memref<640x64xf32, #tpu.memory_space<vmem>>
        %dma_wait3A_571 = arith.constant 384 : i32
        %dma_wait3A_572 = arith.constant 0 : i32
        %dma_wait3A_573 = tpu.memref_slice %dma_wait3A_570[%dma_wait3A_571, %dma_wait3A_572] : memref<640x64xf32, #tpu.memory_space<vmem>> -> memref<128x64xf32, #tpu.memory_space<vmem>>
        tpu.wait_dma2 semaphore(%run_scoped3A_541 : memref<!tpu.dma_semaphore, #tpu.memory_space<semaphore_mem>>) src(%dma_wait3A_573 : memref<128x64xf32, #tpu.memory_space<vmem>>) dst(%dma_wait3A_566 : memref<128x64xf32, #tpu.memory_space<hbm>>)
        tpu.yield
      }) : () -> ()
      %mul3A_520 = arith.constant 5 : i32
      %mul3A_521 = arith.muli %add3A_435, %mul3A_520 : i32
      %add3A_522 = arith.addi %mul3A_2, %mul3A_521 : i32
      %add3A_523 = arith.constant 4 : i32
      %add3A_524 = arith.addi %add3A_522, %add3A_523 : i32
      %rem3A_525 = arith.constant 32 : i32
      %rem3A_526 = arith.remsi %add3A_524, %rem3A_525 : i32
      %div3A_527 = arith.constant 32 : i32
      %div3A_528 = arith.divsi %add3A_524, %div3A_527 : i32
      %mul3A_529 = arith.constant 2048 : i32
      %mul3A_530 = arith.muli %div3A_528, %mul3A_529 : i32
      %rem3A_531 = arith.constant 16 : i32
      %rem3A_532 = arith.remsi %rem3A_526, %rem3A_531 : i32
      %mul3A_533 = arith.constant 128 : i32
      %mul3A_534 = arith.muli %rem3A_532, %mul3A_533 : i32
      %add3A_535 = arith.addi %mul3A_530, %mul3A_534 : i32
      %div3A_536 = arith.constant 16 : i32
      %div3A_537 = arith.divsi %rem3A_526, %div3A_536 : i32
      %mul3A_538 = arith.constant 64 : i32
      %mul3A_539 = arith.muli %div3A_537, %mul3A_538 : i32
      %run_scoped3A_540 = arith.constant 1 : i32
      "tpu.region"() ({
        %run_scoped3A_541 = tpu.sem_alloc : memref<!tpu.dma_semaphore, #tpu.memory_space<semaphore_mem>>
        %dma_start3A_542 = arith.constant 0 : i32
        %dma_start3A_543 = arith.constant 0 : i32
        %dma_start3A_544 = tpu.memref_slice %arg6[%run_scoped3A_540, %dma_start3A_542, %dma_start3A_543] : memref<2x640x64xf32, #tpu.memory_space<vmem>> -> memref<1x640x64xf32, #tpu.memory_space<vmem>>
        %dma_start3A_545 = tpu.memref_squeeze %dma_start3A_544 : memref<1x640x64xf32, #tpu.memory_space<vmem>> -> memref<640x64xf32, #tpu.memory_space<vmem>>
        %dma_start3A_546 = arith.constant 512 : i32
        %dma_start3A_547 = arith.constant 0 : i32
        %dma_start3A_548 = tpu.memref_slice %dma_start3A_545[%dma_start3A_546, %dma_start3A_547] : memref<640x64xf32, #tpu.memory_space<vmem>> -> memref<128x64xf32, #tpu.memory_space<vmem>>
        %dma_start3A_549 = tpu.memref_slice %arg4[%add3A_535, %mul3A_539] : memref<102400x128xf32, #tpu.memory_space<hbm>> -> memref<128x64xf32, #tpu.memory_space<hbm>>
        %dma_start3A_550 = tpu.memref_slice %arg4[%add3A_535, %mul3A_539] : memref<102400x128xf32, #tpu.memory_space<hbm>> -> memref<128x64xf32, #tpu.memory_space<hbm>>
        %dma_start3A_551 = arith.constant 0 : i32
        %dma_start3A_552 = arith.constant 0 : i32
        %dma_start3A_553 = tpu.memref_slice %arg6[%run_scoped3A_540, %dma_start3A_551, %dma_start3A_552] : memref<2x640x64xf32, #tpu.memory_space<vmem>> -> memref<1x640x64xf32, #tpu.memory_space<vmem>>
        %dma_start3A_554 = tpu.memref_squeeze %dma_start3A_553 : memref<1x640x64xf32, #tpu.memory_space<vmem>> -> memref<640x64xf32, #tpu.memory_space<vmem>>
        %dma_start3A_555 = arith.constant 512 : i32
        %dma_start3A_556 = arith.constant 0 : i32
        %dma_start3A_557 = tpu.memref_slice %dma_start3A_554[%dma_start3A_555, %dma_start3A_556] : memref<640x64xf32, #tpu.memory_space<vmem>> -> memref<128x64xf32, #tpu.memory_space<vmem>>
        tpu.enqueue_dma source(%dma_start3A_557 : memref<128x64xf32, #tpu.memory_space<vmem>>) target(%dma_start3A_550 : memref<128x64xf32, #tpu.memory_space<hbm>>) target_semaphore(%run_scoped3A_541 : memref<!tpu.dma_semaphore, #tpu.memory_space<semaphore_mem>>)
        %dma_wait3A_558 = arith.constant 0 : i32
        %dma_wait3A_559 = arith.constant 0 : i32
        %dma_wait3A_560 = tpu.memref_slice %arg6[%run_scoped3A_540, %dma_wait3A_558, %dma_wait3A_559] : memref<2x640x64xf32, #tpu.memory_space<vmem>> -> memref<1x640x64xf32, #tpu.memory_space<vmem>>
        %dma_wait3A_561 = tpu.memref_squeeze %dma_wait3A_560 : memref<1x640x64xf32, #tpu.memory_space<vmem>> -> memref<640x64xf32, #tpu.memory_space<vmem>>
        %dma_wait3A_562 = arith.constant 512 : i32
        %dma_wait3A_563 = arith.constant 0 : i32
        %dma_wait3A_564 = tpu.memref_slice %dma_wait3A_561[%dma_wait3A_562, %dma_wait3A_563] : memref<640x64xf32, #tpu.memory_space<vmem>> -> memref<128x64xf32, #tpu.memory_space<vmem>>
        %dma_wait3A_565 = tpu.memref_slice %arg4[%add3A_535, %mul3A_539] : memref<102400x128xf32, #tpu.memory_space<hbm>> -> memref<128x64xf32, #tpu.memory_space<hbm>>
        %dma_wait3A_566 = tpu.memref_slice %arg4[%add3A_535, %mul3A_539] : memref<102400x128xf32, #tpu.memory_space<hbm>> -> memref<128x64xf32, #tpu.memory_space<hbm>>
        %dma_wait3A_567 = arith.constant 0 : i32
        %dma_wait3A_568 = arith.constant 0 : i32
        %dma_wait3A_569 = tpu.memref_slice %arg6[%run_scoped3A_540, %dma_wait3A_567, %dma_wait3A_568] : memref<2x640x64xf32, #tpu.memory_space<vmem>> -> memref<1x640x64xf32, #tpu.memory_space<vmem>>
        %dma_wait3A_570 = tpu.memref_squeeze %dma_wait3A_569 : memref<1x640x64xf32, #tpu.memory_space<vmem>> -> memref<640x64xf32, #tpu.memory_space<vmem>>
        %dma_wait3A_571 = arith.constant 512 : i32
        %dma_wait3A_572 = arith.constant 0 : i32
        %dma_wait3A_573 = tpu.memref_slice %dma_wait3A_570[%dma_wait3A_571, %dma_wait3A_572] : memref<640x64xf32, #tpu.memory_space<vmem>> -> memref<128x64xf32, #tpu.memory_space<vmem>>
        tpu.wait_dma2 semaphore(%run_scoped3A_541 : memref<!tpu.dma_semaphore, #tpu.memory_space<semaphore_mem>>) src(%dma_wait3A_573 : memref<128x64xf32, #tpu.memory_space<vmem>>) dst(%dma_wait3A_566 : memref<128x64xf32, #tpu.memory_space<hbm>>)
        tpu.yield
      }) : () -> ()
    }
    %scan3A_6 = arith.constant 5 : i32
    return
  }
}

module attributes {stable_mosaic.version = 14 : i64} {
  func.func @_transpose_body(%arg0: i32, %arg1: memref<4096x128xf32, #tpu.memory_space<vmem>>, %arg2: memref<2x64x4096xf32, #tpu.memory_space<vmem>>) attributes {dimension_semantics = [#tpu.dimension_semantics<arbitrary>], iteration_bounds = array<i64: 25>, scalar_prefetch = 0 : i64, scratch_operands = 0 : i64, tpu.core_type = #tpu.core_type<tc>, window_params = [{transform_indices = @transform_0, window_bounds = array<i64: 4096, 128>}, {transform_indices = @transform_1, window_bounds = array<i64: 2, 64, 4096>}]} {
    %get3A = arith.constant 0 : index
    %get3A_0 = arith.constant 0 : index
    %get3A_1 = vector.load %arg1[%get3A, %get3A_0] : memref<4096x128xf32, #tpu.memory_space<vmem>>, vector<2048x128xf32>
    %transpose3A = tpu.transpose %get3A_1, [1, 0] : vector<2048x128xf32> -> vector<128x2048xf32>
    %slice3A = vector.extract_strided_slice %transpose3A {offsets = [0, 0], sizes = [64, 2048], strides = [1, 1]} : vector<128x2048xf32> to vector<64x2048xf32>
    %slice3A_2 = vector.extract_strided_slice %transpose3A {offsets = [64, 0], sizes = [64, 2048], strides = [1, 1]} : vector<128x2048xf32> to vector<64x2048xf32>
    %concatenate3A = tpu.concatenate %slice3A, %slice3A_2 in 1 : vector<64x2048xf32>, vector<64x2048xf32> -> vector<64x4096xf32>
    %swap3A = arith.constant 0 : index
    %swap3A_3 = arith.constant 0 : index
    %swap3A_4 = arith.constant 0 : index
    %swap3A_5 = vector.load %arg2[%swap3A, %swap3A_3, %swap3A_4] : memref<2x64x4096xf32, #tpu.memory_space<vmem>>, vector<1x64x4096xf32>
    %swap3A_6 = vector.shape_cast %swap3A_5 : vector<1x64x4096xf32> to vector<64x4096xf32>
    %swap3A_7 = vector.shape_cast %concatenate3A : vector<64x4096xf32> to vector<1x64x4096xf32>
    tpu.vector_store %arg2[%swap3A, %swap3A_3, %swap3A_4], %swap3A_7 {strides = array<i32>} : memref<2x64x4096xf32, #tpu.memory_space<vmem>>, vector<1x64x4096xf32>,
    %get3A_8 = arith.constant 2048 : index
    %get3A_9 = arith.constant 0 : index
    %get3A_10 = vector.load %arg1[%get3A_8, %get3A_9] : memref<4096x128xf32, #tpu.memory_space<vmem>>, vector<2048x128xf32>
    %transpose3A_11 = tpu.transpose %get3A_10, [1, 0] : vector<2048x128xf32> -> vector<128x2048xf32>
    %slice3A_12 = vector.extract_strided_slice %transpose3A_11 {offsets = [0, 0], sizes = [64, 2048], strides = [1, 1]} : vector<128x2048xf32> to vector<64x2048xf32>
    %slice3A_13 = vector.extract_strided_slice %transpose3A_11 {offsets = [64, 0], sizes = [64, 2048], strides = [1, 1]} : vector<128x2048xf32> to vector<64x2048xf32>
    %concatenate3A_14 = tpu.concatenate %slice3A_12, %slice3A_13 in 1 : vector<64x2048xf32>, vector<64x2048xf32> -> vector<64x4096xf32>
    %swap3A_15 = arith.constant 1 : index
    %swap3A_16 = arith.constant 0 : index
    %swap3A_17 = arith.constant 0 : index
    %swap3A_18 = vector.load %arg2[%swap3A_15, %swap3A_16, %swap3A_17] : memref<2x64x4096xf32, #tpu.memory_space<vmem>>, vector<1x64x4096xf32>
    %swap3A_19 = vector.shape_cast %swap3A_18 : vector<1x64x4096xf32> to vector<64x4096xf32>
    %swap3A_20 = vector.shape_cast %concatenate3A_14 : vector<64x4096xf32> to vector<1x64x4096xf32>
    tpu.vector_store %arg2[%swap3A_15, %swap3A_16, %swap3A_17], %swap3A_20 {strides = array<i32>} : memref<2x64x4096xf32, #tpu.memory_space<vmem>>, vector<1x64x4096xf32>,
    return
  }
  func.func @transform_0(%arg0: i32) -> (i32, i32) {
    %c0_i32 = arith.constant 0 : i32
    %c0_i32_0 = arith.constant 0 : i32
    return %arg0, %c0_i32 : i32, i32
  }
  func.func @transform_1(%arg0: i32) -> (i32, i32, i32) {
    %c0_i32 = arith.constant 0 : i32
    %c0_i32_0 = arith.constant 0 : i32
    %c0_i32_1 = arith.constant 0 : i32
    return %arg0, %c0_i32, %c0_i32_0 : i32, i32, i32
  }
}

module attributes {stable_mosaic.version = 14 : i64} {
  func.func @_transform_body(%arg0: i32, %arg1: memref<64x16384xf32, #tpu.memory_space<vmem>>, %arg2: memref<64x64xf32, #tpu.memory_space<vmem>>, %arg3: memref<1x64xf32, #tpu.memory_space<vmem>>, %arg4: memref<16384x128xf32, #tpu.memory_space<vmem>>) attributes {dimension_semantics = [#tpu.dimension_semantics<arbitrary>], iteration_bounds = array<i64: 7>, scalar_prefetch = 0 : i64, scratch_operands = 0 : i64, tpu.core_type = #tpu.core_type<tc>, window_params = [{transform_indices = @transform_0, window_bounds = array<i64: 64, 16384>}, {pipeline_mode = #tpu.pipeline_mode<synchronous>, transform_indices = @transform_1, window_bounds = array<i64: 64, 64>}, {pipeline_mode = #tpu.pipeline_mode<synchronous>, transform_indices = @transform_2, window_bounds = array<i64: 1, 64>}, {transform_indices = @transform_3, window_bounds = array<i64: 16384, 128>}]} {
    %get3A = arith.constant 0 : index
    %get3A_0 = arith.constant 0 : index
    %get3A_1 = vector.load %arg1[%get3A, %get3A_0] : memref<64x16384xf32, #tpu.memory_space<vmem>>, vector<64x16384xf32>
    %get3A_2 = arith.constant 0 : index
    %get3A_3 = arith.constant 0 : index
    %get3A_4 = vector.load %arg2[%get3A_2, %get3A_3] : memref<64x64xf32, #tpu.memory_space<vmem>>, vector<64x64xf32>
    %dot_general3A = arith.constant dense<0.000000e+00> : vector<16384x64xf32>
    %dot_general3A_5 = tpu.matmul %get3A_1, %get3A_4, %dot_general3A {dimension_numbers = #tpu.dot_dimension_numbers<[0], [1], [1], [0], [0, 1, 1, 0], [], []>, transpose_lhs_hint = false} : vector<64x16384xf32>, vector<64x64xf32>, vector<16384x64xf32> -> vector<16384x64xf32>
    %get3A_6 = arith.constant 0 : index
    %get3A_7 = arith.constant 0 : index
    %get3A_8 = vector.load %arg3[%get3A_6, %get3A_7] : memref<1x64xf32, #tpu.memory_space<vmem>>, vector<1x64xf32>
    %add3A = vector.broadcast %get3A_8 : vector<1x64xf32> to vector<16384x64xf32>
    %add3A_9 = arith.addf %dot_general3A_5, %add3A : vector<16384x64xf32>
    %logistic3A = arith.negf %add3A_9 : vector<16384x64xf32>
    %logistic3A_10 = math.exp %logistic3A : vector<16384x64xf32>
    %logistic3A_11 = arith.constant 1.000000e+00 : f32
    %logistic3A_12 = vector.broadcast %logistic3A_11 : f32 to vector<16384x64xf32>
    %logistic3A_13 = arith.addf %logistic3A_12, %logistic3A_10 : vector<16384x64xf32>
    %logistic3A_14 = arith.divf %logistic3A_12, %logistic3A_13 : vector<16384x64xf32>
    %concatenate3A = tpu.concatenate %logistic3A_14, %logistic3A_14 in 1 : vector<16384x64xf32>, vector<16384x64xf32> -> vector<16384x128xf32>
    %swap3A = arith.constant 0 : index
    %swap3A_15 = arith.constant 0 : index
    %swap3A_16 = vector.load %arg4[%swap3A, %swap3A_15] : memref<16384x128xf32, #tpu.memory_space<vmem>>, vector<16384x128xf32>
    tpu.vector_store %arg4[%swap3A, %swap3A_15], %concatenate3A {strides = array<i32>} : memref<16384x128xf32, #tpu.memory_space<vmem>>, vector<16384x128xf32>,
    return
  }
  func.func @transform_0(%arg0: i32) -> (i32, i32) {
    %c0_i32 = arith.constant 0 : i32
    %c0_i32_0 = arith.constant 0 : i32
    return %c0_i32, %arg0 : i32, i32
  }
  func.func @transform_1(%arg0: i32) -> (i32, i32) {
    %c0_i32 = arith.constant 0 : i32
    %c0_i32_0 = arith.constant 0 : i32
    %c0_i32_1 = arith.constant 0 : i32
    return %c0_i32, %c0_i32_0 : i32, i32
  }
  func.func @transform_2(%arg0: i32) -> (i32, i32) {
    %c0_i32 = arith.constant 0 : i32
    %c0_i32_0 = arith.constant 0 : i32
    %c0_i32_1 = arith.constant 0 : i32
    return %c0_i32, %c0_i32_0 : i32, i32
  }
  func.func @transform_3(%arg0: i32) -> (i32, i32) {
    %c0_i32 = arith.constant 0 : i32
    %c0_i32_0 = arith.constant 0 : i32
    return %arg0, %c0_i32 : i32, i32
  }
}

module attributes {stable_mosaic.version = 14 : i64} {
  func.func @_idx_body(%arg0: memref<50x4096xi32, #tpu.memory_space<vmem>>, %arg1: memref<1600x128xi32, #tpu.memory_space<vmem>>) attributes {dimension_semantics = [], scalar_prefetch = 0 : i64, scratch_operands = 0 : i64, tpu.core_type = #tpu.core_type<tc>} {
    %get3A = arith.constant 0 : index
    %get3A_0 = arith.constant 0 : index
    %get3A_1 = vector.load %arg0[%get3A, %get3A_0] : memref<50x4096xi32, #tpu.memory_space<vmem>>, vector<50x4096xi32>
    %mul3A = arith.constant 2 : i32
    %mul3A_2 = vector.broadcast %mul3A : i32 to vector<50x4096xi32>
    %mul3A_3 = arith.muli %get3A_1, %mul3A_2 : vector<50x4096xi32>
    %reshape3A = vector.shape_cast %mul3A_3 : vector<50x4096xi32> to vector<1600x128xi32>
    %swap3A = arith.constant 0 : index
    %swap3A_4 = arith.constant 0 : index
    %swap3A_5 = vector.load %arg1[%swap3A, %swap3A_4] : memref<1600x128xi32, #tpu.memory_space<vmem>>, vector<1600x128xi32>
    tpu.vector_store %arg1[%swap3A, %swap3A_4], %reshape3A {strides = array<i32>} : memref<1600x128xi32, #tpu.memory_space<vmem>>, vector<1600x128xi32>,
    return
  }
}

</mosaic_0001>

<sc_bundles>
// kernel: kernel.6.cloned.1.call-start
scs
__scs_entry_jumppad:
0x0: {  	(pc) =	sbr.rel $0x88, $3  }
0x1: {  	(tag) =	ssettag $0x0;
	lr =	simm.s32 $0x1  }
0x2: {  	[smem:$0x3F9D] =	sst lr;
	_ =	strace $0xD0000000  }
0x3: {  	_ = 	snop  }
0x4: {  	_ = 	snop  }
0x5: {  	_ = 	snop  }
0x6: {  	_ = 	snop  }
0x7: {  	_ = 	snop  }
__scs_overlays_trampoline_lowered:
0x8: {  	[smem:$0x3FAC] =	sst s0  }
0x9: {  	[smem:$0x3FAD] =	sst s1  }
0xa: {  	[smem:$0x3FAE] =	sst s2  }
0xb: {  	[smem:$0x3FAF] =	sst s3  }
0xc: {  	[smem:$0x3FB0] =	sst s4  }
0xd: {  	[smem:$0x3FB1] =	sst s5  }
0xe: {  	[smem:$0x3FB2] =	sst s6  }
0xf: {  	[smem:$0x3FB3] =	sst s7  }
0x10: {  	[smem:$0x3FB4] =	sst s8  }
0x11: {  	[smem:$0x3FB5] =	sst s9;
	s0 =	simm.s32 @!p0 $0x0  }
0x12: {  	s1 =	sld [smem:$0x3F9B];
	s0 =	simm.s32 @p0 $0x1  }
0x13: {  	[smem:$0x3FB6] =	sst s0;
	s0 =	simm.s32 @!p1 $0x0  }
0x14: {  	s2 =	sld [smem:$0x3F9A];
	s0 =	simm.s32 @p1 $0x1  }
0x15: {  	[smem:$0x3FB7] =	sst s0;
	s0 =	simm.s32 @!p2 $0x0  }
0x16: {  	s3 =	sld [smem:$0x3FDB];
	s0 =	simm.s32 @p2 $0x1  }
0x17: {  	s4 =	simm.s32 $0x1BF5;
	[smem:$0x3FB9] =	sst s0  }
0x18: {  	s0 =	sld [smem:$0x3F9C];
	_ =	swait.ge [sflag:s4], $0x0  }
0x19: {  	s7 =	sld [smem:$0x3F9D]  }
0x1a: {  	s8 =	sadd.s32 $0xFFFFE003, lr  }
0x1b: {  	s9 =	sadd.s32 $0xFFFFFEF7, lr;
	s5 =	simm.s32 $0xFFFFFFFF;
	p2 =	slt.u32 s8, $0xFFFFF086  }
0x1c: {  	p1 =	slt.u32 s9, $0xF7A;
	s5 =	simm.s32 @!p2 $0x0  }
0x1d: {  	s5 =	simm.s32 @p1 $0x1;
	p0 =	seq.s32 s7, s2  }
0x1e: {  	s7 =	smul.u32 @!p0 $0xF7A, s2;
	p2 =	seq.s32 @!p0 s5, $0x0  }
0x1f: {  	s9 =	smul.u32 $0xF7A, s1;
	s8 =	simm.s32 @!p0 $0x1BF5;
	p2 =	por !p2, p0  }
0x20: {  	[sflag:s8] =	ssyncset.s32 @!p0 $0xFFFFF086;
	s6 =	sadd.s32 @!p0 s3, s7;
	s7 =	simm.s32 @!p0 $0x108  }
0x21: {  	s3 =	sadd.s32 s3, s9;
	s6 =	sadd.s32 @!p0 $0x88, s6;
	s7 =	simm.s32 @p2 $0x1082  }
0x22: {  	[simem:s7], [sflag:s8] =	dma.local @!p0 [hbm:s6], $0xF7A  }
0x23: {  	s9 =	sor.u32 $0xD0000000, s2;
	s6 =	simm.s32 $0x108;
	_ =	swait.ge @!p0 [sflag:s8], $0x0  }
0x24: {  	s3 =	sadd.s32 $0x88, s3;
	s6 =	simm.s32 @!p1 $0x1082;
	[sflag:s4] =	ssyncset.s32 $0xFFFFF086  }
0x25: {  	[simem:s6], [sflag:s4] =	dma.local [hbm:s3], $0xF7A  }
0x26: {  	[smem:$0x3F9D] =	sst s1;
	(tag) =	ssettag s2;
	_ =	strace s9  }
0x27: {  	s1 =	sld [smem:$0x3FAD]  }
0x28: {  	s2 =	sld [smem:$0x3FAE]  }
0x29: {  	s4 =	sld [smem:$0x3FB0]  }
0x2a: {  	p0 =	seq.s32 s5, $0x0;
	s5 =	sld [smem:$0x3FB1]  }
0x2b: {  	s6 =	sld [smem:$0x3FB2]  }
0x2c: {  	s7 =	sld [smem:$0x3FB3]  }
0x2d: {  	s3 =	simm.s32 $0x108;
	s8 =	sld [smem:$0x3FB4]  }
0x2e: {  	s3 =	simm.s32 @!p0 $0x1082;
	s9 =	sld [smem:$0x3FB5]  }
0x2f: {  	lr =	sadd.s32 s0, s3;
	s0 =	sld [smem:$0x3FAC]  }
0x30: {  	s3 =	sld [smem:$0x3FAF]  }
0x31: {  	[smem:$0x3FB8] =	sst s10  }
0x32: {  	s10 =	sld [smem:$0x3FB6];
	_ =	sdelay $0x3  }
0x33: {  	p0 =	seq.s32 s10, $0x1;
	s10 =	sld [smem:$0x3FB8];
	_ =	sdelay $0x3  }
0x34: {  	[smem:$0x3FB8] =	sst s10  }
0x35: {  	s10 =	sld [smem:$0x3FB7];
	_ =	sdelay $0x3  }
0x36: {  	p1 =	seq.s32 s10, $0x1;
	s10 =	sld [smem:$0x3FB8];
	_ =	sdelay $0x3  }
0x37: {  	[smem:$0x3FB8] =	sst s10  }
0x38: {  	s10 =	sld [smem:$0x3FB9]  }
0x39: {  	_ = 	snop;
	(pc) =	sbr.ind lr, $3  }
0x3a: {  	_ = 	snop  }
0x3b: {  	_ = 	snop  }
0x3c: {  	p2 =	seq.s32 s10, $0x1;
	s10 =	sld [smem:$0x3FB8]  }
0x3d: {  	_ =	shalt  }
0x3e: {  	_ =	shalt  }
0x3f: {  	_ =	shalt  }
0x40: {  	_ =	shalt  }
0x41: {  	_ =	shalt  }
0x42: {  	_ =	shalt  }
0x43: {  	_ =	shalt  }
0x44: {  	_ =	shalt  }
0x45: {  	_ =	shalt  }
0x46: {  	_ =	shalt  }
0x47: {  	_ =	shalt  }
0x48: {  	_ =	shalt  }
0x49: {  	_ =	shalt  }
0x4a: {  	_ =	shalt  }
0x4b: {  	_ =	shalt  }
0x4c: {  	_ =	shalt  }
0x4d: {  	_ =	shalt  }
0x4e: {  	_ =	shalt  }
0x4f: {  	_ =	shalt  }
0x50: {  	_ =	shalt  }
0x51: {  	_ =	shalt  }
0x52: {  	_ =	shalt  }
0x53: {  	_ =	shalt  }
0x54: {  	_ =	shalt  }
0x55: {  	_ =	shalt  }
0x56: {  	_ =	shalt  }
0x57: {  	_ =	shalt  }
0x58: {  	_ =	shalt  }
0x59: {  	_ =	shalt  }
0x5a: {  	_ =	shalt  }
0x5b: {  	_ =	shalt  }
0x5c: {  	_ =	shalt  }
0x5d: {  	_ =	shalt  }
0x5e: {  	_ =	shalt  }
0x5f: {  	_ =	shalt  }
0x60: {  	_ =	shalt  }
0x61: {  	_ =	shalt  }
0x62: {  	_ =	shalt  }
0x63: {  	_ =	shalt  }
0x64: {  	_ =	shalt  }
0x65: {  	_ =	shalt  }
0x66: {  	_ =	shalt  }
0x67: {  	_ =	shalt  }
0x68: {  	_ =	shalt  }
0x69: {  	_ =	shalt  }
0x6a: {  	_ =	shalt  }
0x6b: {  	_ =	shalt  }
0x6c: {  	_ =	shalt  }
0x6d: {  	_ =	shalt  }
0x6e: {  	_ =	shalt  }
0x6f: {  	_ =	shalt  }
0x70: {  	_ =	shalt  }
0x71: {  	_ =	shalt  }
0x72: {  	_ =	shalt  }
0x73: {  	_ =	shalt  }
0x74: {  	_ =	shalt  }
0x75: {  	_ =	shalt  }
0x76: {  	_ =	shalt  }
0x77: {  	_ =	shalt  }
0x78: {  	_ =	shalt  }
0x79: {  	_ =	shalt  }
0x7a: {  	_ =	shalt  }
0x7b: {  	_ =	shalt  }
0x7c: {  	_ =	shalt  }
0x7d: {  	_ =	shalt  }
0x7e: {  	_ =	shalt  }
0x7f: {  	_ =	shalt  }
0x80: {  	_ =	shalt  }
0x81: {  	_ =	shalt  }
0x82: {  	_ =	shalt  }
0x83: {  	_ =	shalt  }
0x84: {  	_ =	shalt  }
0x85: {  	_ =	shalt  }
0x86: {  	_ =	shalt  }
0x87: {  	_ =	shalt  }
.Lfunc_end0:
.L_simem_size_0:
called_computation_lowered:
.L_overlay_start_0:
0x88: {  	s2 =	sld [smem:$0x3FD9]  }
0x89: {  	s3 =	sld [smem:$0x3FFE];
	_ =	sdelay $0x1  }
0x8a: {  	s1 =	srdreg.scid  }
0x8b: {  	s0 =	sand.u32 $0x1, s1  }
0x8c: {  	s17 =	sshll.u32 s0, $0xA;
	s2 =	sadd.s32 s3, s2  }
0x8d: {  	s2 =	sadd.s32 s2, s17  }
0x8e: {  	[smem:$0x3FC4] =	sst s2  }
0x8f: {  	_ = 	snop  }
0x90: {  	s2 =	sld [smem:$0x3FD0];
	(tm) =	ssettm $0x1  }
0x91: {  	s18 =	sld [smem:$0x3FFB];
	_ =	sdelay $0x3  }
0x92: {  	_ =	strace s18  }
0x93: {  	s3 =	sld [smem:$0x3FFC];
	_ =	sdelay $0x3  }
0x94: {  	_ =	strace s3  }
0x95: {  	s3 =	sld [smem:$0x3FFD];
	_ =	sdelay $0x3  }
0x96: {  	_ =	strace s3  }
0x97: {  	_ =	strace $0x8FFFFFFF  }
0x98: {  	s19 =	sld [smem:$0x3FDB];
	_ =	sdelay $0x1  }
0x99: {  	s4 =	simm.s32 $_scs_section_size  }
0x9a: {  	s5 =	simm.s32 $_size__tile_overlayer_lowered;
	s6 =	simm.s32 $_tile_overlayer_lowered  }
0x9b: {  	s22 =	simm.s32 $0x1BFF;
	s21 =	sshll.u32 s6, $0x1;
	s3 =	sadd.s32 s4, s19  }
0x9c: {  	s7 =	simm.s32 $0x0;
	s20 =	sshll.u32 s5, $0x1;
	s5 =	sadd.s32 s21, s3  }
0x9d: {  	[timem:s7], [sflag:s22] =	dma.local [hbm:s5], s20  }
0x9e: {  	_ =	swait.ge [sflag:s22], s20  }
0x9f: {  	s4 =	ssub.s32 $0x0, s20;
	[sflag:s22] =	ssyncset.done $0x0  }
0xa0: {  	[sflag:s22] =	ssyncadd.s32 s4;
	_ =	sdelay $0x1  }
0xa1: {  	s23 =	simm.s32 $0x1B8B  }
0xa2: {  	_ =	swait.ge [sflag:s23], $0x1  }
0xa3: {  	[sflag:s23] =	ssyncset.done $0x0  }
0xa4: {  	s25 =	simm.s32 $0x1B8E;
	s24 =	sld [smem:$0x3FFE];
	[sflag:s23] =	ssyncadd.s32 $0xFFFFFFFF  }
0xa5: {  	s26 =	simm.s32 $execute0_lowered;
	[smem:$0x3FD2] =	sst s25  }
0xa6: {  	s5 =	sshll.u32 s26, $0x1;
	_ =	strace $0x80000046;
	[dreg:$0x1] =	wrdreg $0xFFFFFFFF  }
0xa7: {  	s28 =	simm.s32 $_size_execute0_lowered;
	s3 =	sadd.s32 s3, s5;
	[dreg:$0x0] =	wrdreg $0x0  }
0xa8: {  	s5 =	sshll.u32 s28, $0x1;
	[dreg:$0x2] =	wrdreg s3  }
0xa9: {  	[dreg:$0x3] =	wrdreg s5  }
0xaa: {  	[dreg:$0x4] =	wrdreg $0xC0  }
0xab: {  	_ =	task [dreg:s7], $0x5FFFF  }
0xac: {  	[dreg:$0x1] =	wrdreg $0xFFFFFFFF  }
0xad: {  	[dreg:$0x0] =	wrdreg $0x60  }
0xae: {  	[dreg:$0x2] =	wrdreg s24  }
0xaf: {  	[dreg:$0x3] =	wrdreg s2  }
0xb0: {  	[dreg:$0x4] =	wrdreg $0x9  }
0xb1: {  	_ =	task.clear_ibuf [dreg:s7], $0x5FFFF;
	_ =	strace $0x90000046  }
0xb2: {  	s29 =	simm.s32 $0x9;
	_ =	strace $0x80000048  }
0xb3: {  	_ =	swait.ge [sflag:s29], $0x1  }
0xb4: {  	[sflag:s29] =	ssyncadd.s32 $0xFFFFFFFF  }
0xb5: {  	_ =	strace $0x90000048  }
0xb6: {  	_ =	sfence  }
0xb7: {  	s30 =	sld [smem:$0x0];
	_ =	sdelay $0x2  }
0xb8: {  	s31 =	sshll.u32 s1, $0xD;
	s1 =	sshrl.u32 s1, $0x2  }
0xb9: {  	s3 =	sand.u32 $0x4000, s31;
	s1 =	sadd.s32 s1, s30  }
0xba: {  	s0 =	sor.u32 s3, s0;
	s1 =	sshll.u32 s1, $0x11  }
0xbb: {  	s0 =	sor.u32 s1, s0  }
0xbc: {  	s0 =	sadd.s32 $0x8F2B, s0  }
0xbd: {  	[sflag:s0] =	ssyncadd.remote.s32 $0x1  }
0xbe: {  	_ =	sfence.sel $0xFFFF  }
0xbf: {  	[dreg:$0x0] =	wrdreg $0xFFFFFFFF;
	(pc) =	sbr.abs _section_cstart, $3  }
0xc0: {  	[dreg:$0x1] =	wrdreg $0xFFFFFFFF  }
0xc1: {  	_ =	task.clear_ibuf [dreg:s7], $0x2FFFF;
	_ =	strace $0x9FFFFFFF  }
0xc2: {  	(tm) =	ssettm $0x7FFFFFFF  }
0xc3: {  	_ =	shalt  }
tec
execute0_lowered:
.L_overlay_start_1:
0x0: {  	(tag) =	ssettag $0x1  }
0x1: {  	s0 =	srdreg.scid;
	s2 =	rddreg [dreg:$0x0]  }
0x2: {  	s14 =	stileid.u32;
	s5 =	rddreg [dreg:$0x1];
	s3 =	simm.s32 $0x0  }
0x3: {  	s18 =	simm.s32 $0x1900;
	s16 =	simm.s32 $0x3900;
	s17 =	simm.s32 $0x5900  }
0x4: {  	s31 =	simm.s32 $0x7900;
	s30 =	simm.s32 $0x9900;
	s6 =	smul.u32 $0x190, s14  }
0x5: {  	s22 =	simm.s32 $0xD900;
	s20 =	simm.s32 $0xF900;
	s8 =	smul.u32 $0x190000, s14  }
0x6: {  	s21 =	simm.s32 $0x11900;
	s15 =	simm.s32 $0x13900;
	s11 =	smul.u32 $0xC8000, s14  }
0x7: {  	s23 =	simm.s32 $0x1;
	s0 =	sand.u32 $0x1, s0;
	s24 =	smul.u32 $0x64, s14  }
0x8: {  	s1 =	sshll.u32 s14, $0x1;
	[smem:$0x7FF] =	sst s3;
	s7 =	smul.u32 $0xC8, s0  }
0x9: {  	s3 =	sadd.s32 $0xC00, s2;
	s4 =	sadd.s32 $0x1C0C00, s2;
	s9 =	smul.u32 $0xC8000, s0  }
0xa: {  	s2 =	sadd.s32 $0x1C1400, s2;
	s1 =	sor.u32 s0, s1;
	s13 =	smul.u32 $0x64000, s0  }
0xb: {  	_ =	strace $0x80000047;
	s10 =	ssub.s32 $0x2, s0;
	s0 =	smul.u32 $0x32, s0  }
0xc: {  	[dreg:$0x3] =	wrdreg s2;
	s1 =	smul.u32 $0x320, s1;
	s26 =	sadd.s32 s7, s6  }
0xd: {  	s12 =	sshrl.u32 s10, $0x1;
	s28 =	sadd.s32 s9, s8;
	[dreg:$0x7] =	wrdreg s26  }
0xe: {  	s10 =	ssub.s32 s10, s12;
	s29 =	sadd.s32 s13, s11;
	[dreg:$0x8] =	wrdreg s28  }
0xf: {  	s0 =	sadd.s32 s0, s24;
	s11 =	simm.s32 $0x3;
	[dreg:$0x9] =	wrdreg s29  }
0x10: {  	s12 =	simm.s32 $0x80;
	s1 =	sadd.s32 s5, s1;
	[dreg:$0xa] =	wrdreg s0  }
0x11: {  	s24 =	simm.s32 $0x13900;
	s25 =	smax.u32 s10, $0x1;
	[dreg:$0x5] =	wrdreg s1  }
0x12: {  	[dreg:$0x6] =	wrdreg s25;
	s25 =	simm.s32 $0x2;
	s1 =	simm.s32 $0x0  }
.LBB2_1:
0x13: {  	[dreg:$0xb] =	wrdreg s1  }
0x14: {  	s0 =	simm.s32 $0x0;
	s9 =	rddreg [dreg:$0x5]  }
0x15: {  	[tilespmem:s0], [sflag:$0x3] =	stream.linear.gather [hbm4b:s9+s0], $0x1900, $0x38;
	[tilespmem:$0x15900] =	vst v63  }
0x16: {  	_ =	swait.ge [sflag:s11], $0x1900  }
0x17: {  	s10 =	simm.s32 $0x0;
	[sflag:s11] =	ssyncset.done $0x0  }
0x18: {  	s13 =	simm.s32 $0x80;
	s14 =	simm.s32 $0x100;
	[sflag:s11] =	ssyncadd.s32 $0xFFFFE700  }
0x19: {  	[tilespmem:s18], [sflag:$0x1] =	stream.indirect.gather [hbm4b:s3+s12], $0x40, s10, s12, $0xb8;
	[tilespmem:$0x15900] =	vst v63  }
0x1a: {  	s19 =	simm.s32 $0x180;
	s7 =	simm.s32 $0x200;
	s9 =	rddreg [dreg:$0x7]  }
0x1b: {  	[tilespmem:s16], [sflag:$0x1] =	stream.indirect.gather [hbm4b:s3+s12], $0x40, s13, s12, $0xb8;
	[tilespmem:$0x15900] =	vst v63  }
0x1c: {  	s5 =	simm.s32 $0x280;
	s6 =	simm.s32 $0xB900;
	s2 =	sadd.s32 $0x20, s9  }
0x1d: {  	[tilespmem:s17], [sflag:$0x1] =	stream.indirect.gather [hbm4b:s3+s12], $0x40, s14, s12, $0xb8;
	[tilespmem:$0x15900] =	vst v63  }
0x1e: {  	s10 =	sand.u32 $0x40, s9;
	s2 =	sand.u32 $0x40, s2;
	s13 =	rddreg [dreg:$0x8]  }
0x1f: {  	[tilespmem:s31], [sflag:$0x1] =	stream.indirect.gather [hbm4b:s3+s12], $0x40, s19, s12, $0xb8;
	[tilespmem:$0x15900] =	vst v63  }
0x20: {  	s8 =	sand.u32 $0x38000, s13;
	s0 =	sadd.s32 $0x10000, s13;
	s14 =	rddreg [dreg:$0x9]  }
0x21: {  	[tilespmem:s30], [sflag:$0x1] =	stream.indirect.gather [hbm4b:s3+s12], $0x40, s7, s12, $0xb8;
	[tilespmem:$0x15900] =	vst v63  }
0x22: {  	s0 =	sand.u32 $0x38000, s0;
	s26 =	sadd.s32 $0x10000, s14;
	s19 =	simm.s32 $0x380  }
0x23: {  	[tilespmem:s6], [sflag:$0x2] =	stream.indirect.gather [hbm4b:s3+s12], $0x40, s5, s12, $0xb8;
	[tilespmem:$0x15900] =	vst v63  }
0x24: {  	s1 =	sand.u32 $0x7FFC0000, s26;
	s26 =	simm.s32 $0x480;
	s6 =	sadd.s32 $0x20000, s13  }
0x25: {  	s7 =	simm.s32 $0x300;
	s5 =	sor.u32 s10, s8;
	s6 =	sand.u32 $0x38000, s6  }
0x26: {  	[tilespmem:s22], [sflag:$0x2] =	stream.indirect.gather [hbm4b:s3+s12], $0x40, s7, s12, $0xb8;
	[tilespmem:$0x15900] =	vst v63  }
0x27: {  	s8 =	simm.s32 $0x400;
	s10 =	sadd.s32 $0x24000, s13;
	s1 =	sor.u32 s6, s1  }
0x28: {  	s10 =	sand.u32 $0x3C000, s10;
	s22 =	sadd.s32 $0x12000, s14;
	s1 =	sor.u32 s2, s1  }
0x29: {  	[tilespmem:s20], [sflag:$0x2] =	stream.indirect.gather [hbm4b:s3+s12], $0x40, s19, s12, $0xb8;
	[tilespmem:$0x15900] =	vst v63  }
0x2a: {  	s2 =	simm.s32 $0x1400;
	s20 =	sadd.s32 $0x24, s9;
	s28 =	sshrl.u32 s1, $0x3  }
0x2b: {  	[tilespmem:s21], [sflag:$0x2] =	stream.indirect.gather [hbm4b:s3+s12], $0x40, s8, s12, $0xb8;
	[tilespmem:$0x15900] =	vst v63  }
0x2c: {  	s1 =	sadd.s32 $0xC000, s13;
	s7 =	sand.u32 $0x40, s20;
	s20 =	sadd.s32 $0x4000, s14  }
0x2d: {  	[tilespmem:s15], [sflag:$0x2] =	stream.indirect.gather [hbm4b:s3+s12], $0x40, s26, s12, $0xb8;
	[tilespmem:$0x15900] =	vst v63  }
0x2e: {  	s1 =	sand.u32 $0x3C000, s1;
	s21 =	sadd.s32 $0x8000, s13;
	_ =	swait.ge [sflag:s23], $0x2000  }
0x2f: {  	s8 =	sand.u32 $0x38000, s21;
	s15 =	sand.u32 $0x7FFC0000, s22;
	[sflag:s23] =	ssyncset.done $0x0  }
0x30: {  	s21 =	sadd.s32 $0x8, s9;
	s6 =	sor.u32 s10, s15;
	[sflag:s23] =	ssyncadd.s32 $0xFFFFE000  }
0x31: {  	s19 =	sor.u32 s7, s6;
	s7 =	sand.u32 $0x7FFC0000, s14;
	_ =	swait.ge [sflag:s23], $0x2000  }
0x32: {  	s6 =	sand.u32 $0x7FFC0000, s20;
	s20 =	sadd.s32 $0xC, s9;
	[sflag:s23] =	ssyncset.done $0x0  }
0x33: {  	s29 =	sshrl.u32 s19, $0x3;
	s6 =	sor.u32 s8, s6;
	[sflag:s23] =	ssyncadd.s32 $0xFFFFE000  }
0x34: {  	s5 =	sor.u32 s7, s5;
	s19 =	sadd.s32 $0x6000, s14;
	_ =	swait.ge [sflag:s23], $0x2000  }
0x35: {  	s5 =	sshrl.u32 s5, $0x3;
	[sflag:s23] =	ssyncset.done $0x0;
	s15 =	rddreg [dreg:$0xa]  }
0x36: {  	s5 =	sadd.s32 s4, s5;
	[sflag:s23] =	ssyncadd.s32 $0xFFFFE000;
	s22 =	sshll.u32 s15, $0xE  }
0x37: {  	s26 =	sshll.u32 s15, $0x2;
	_ =	swait.ge [sflag:s23], $0x2000;
	s10 =	sand.u32 $0x38000, s22  }
0x38: {  	s8 =	sand.u32 $0x40, s26;
	s26 =	sadd.s32 $0x8000, s14;
	[sflag:s23] =	ssyncset.done $0x0  }
0x39: {  	s8 =	sor.u32 s10, s8;
	s10 =	sand.u32 $0x7FFC0000, s19;
	[sflag:s23] =	ssyncadd.s32 $0xFFFFE000  }
0x3a: {  	s19 =	simm.s32 $0x40;
	s1 =	sor.u32 s1, s10;
	_ =	swait.ge [sflag:s23], $0x2000  }
0x3b: {  	s10 =	sand.u32 $0x40, s21;
	s7 =	sor.u32 s7, s8;
	[sflag:s23] =	ssyncset.done $0x0  }
0x3c: {  	s8 =	sand.u32 $0x7FFC0000, s26;
	s26 =	sadd.s32 $0x14, s9;
	[sflag:s23] =	ssyncadd.s32 $0xFFFFE000  }
0x3d: {  	[hbm4b:s5+s19] =	stream.strided.scatter [tilespmem:s18], [sflag:$0x3], $0x2000, s12, s19, $0x38;
	[tilespmem:$0x15900] =	vst v63  }
0x3e: {  	s6 =	sor.u32 s10, s6;
	s7 =	sshrl.u32 s7, $0x3;
	_ =	swait.ge [sflag:s11], $0x2000  }
0x3f: {  	s5 =	sand.u32 $0x40, s20;
	s22 =	rddreg [dreg:$0x3];
	[sflag:s11] =	ssyncset.done $0x0  }
0x40: {  	s1 =	sor.u32 s5, s1;
	[sflag:s11] =	ssyncadd.s32 $0xFFFFE000;
	s5 =	sadd.s32 s7, s22  }
0x41: {  	[hbm4b:s5+s19] =	stream.strided.scatter [tilespmem:s16], [sflag:$0x3], $0x2000, s12, s19, $0x38;
	[tilespmem:$0x15900] =	vst v63  }
0x42: {  	s10 =	sadd.s32 $0x10, s9;
	s0 =	sor.u32 s0, s8;
	_ =	swait.ge [sflag:s11], $0x2000  }
0x43: {  	s8 =	sand.u32 $0x40, s26;
	s6 =	sshrl.u32 s6, $0x3;
	[sflag:s11] =	ssyncset.done $0x0  }
0x44: {  	s20 =	sadd.s32 $0xA000, s14;
	s16 =	sadd.s32 s4, s6;
	[sflag:s11] =	ssyncadd.s32 $0xFFFFE000  }
0x45: {  	[hbm4b:s16+s19] =	stream.strided.scatter [tilespmem:s17], [sflag:$0x3], $0x2000, s12, s19, $0x38;
	[tilespmem:$0x15900] =	vst v63  }
0x46: {  	s26 =	sadd.s32 $0x1C, s9;
	s21 =	sand.u32 $0x7FFC0000, s20;
	_ =	swait.ge [sflag:s11], $0x2000  }
0x47: {  	s20 =	sadd.s32 $0x1C000, s13;
	s1 =	sshrl.u32 s1, $0x3;
	[sflag:s11] =	ssyncset.done $0x0  }
0x48: {  	s7 =	sand.u32 $0x40, s10;
	s1 =	sadd.s32 s4, s1;
	[sflag:s11] =	ssyncadd.s32 $0xFFFFE000  }
0x49: {  	[hbm4b:s1+s19] =	stream.strided.scatter [tilespmem:s31], [sflag:$0x3], $0x2000, s12, s19, $0x38;
	[tilespmem:$0x15900] =	vst v63  }
0x4a: {  	s22 =	sadd.s32 $0x18000, s13;
	s0 =	sor.u32 s7, s0;
	_ =	swait.ge [sflag:s11], $0x2000  }
0x4b: {  	s10 =	sadd.s32 $0xC000, s14;
	s0 =	sshrl.u32 s0, $0x3;
	[sflag:s11] =	ssyncset.done $0x0  }
0x4c: {  	s5 =	sadd.s32 $0xE000, s14;
	s0 =	sadd.s32 s4, s0;
	[sflag:s11] =	ssyncadd.s32 $0xFFFFE000  }
0x4d: {  	[hbm4b:s0+s19] =	stream.strided.scatter [tilespmem:s30], [sflag:$0x3], $0x2000, s12, s19, $0x38;
	[tilespmem:$0x15900] =	vst v63  }
0x4e: {  	s7 =	sand.u32 $0x40, s26;
	s17 =	sadd.s32 $0x14000, s13;
	_ =	swait.ge [sflag:s11], $0x2000  }
0x4f: {  	s16 =	sand.u32 $0x38000, s22;
	s22 =	sand.u32 $0x3C000, s20;
	[sflag:s11] =	ssyncset.done $0x0  }
0x50: {  	s6 =	sand.u32 $0x3C000, s17;
	s17 =	sadd.s32 $0x18, s9;
	[sflag:s11] =	ssyncadd.s32 $0xFFFFE000  }
0x51: {  	s1 =	sor.u32 s6, s21;
	s21 =	sand.u32 $0x7FFC0000, s5;
	_ =	swait.ge [sflag:s25], $0x2000  }
0x52: {  	s6 =	sor.u32 s8, s1;
	s1 =	sor.u32 s22, s21;
	[sflag:s25] =	ssyncset.done $0x0  }
0x53: {  	s31 =	sadd.s32 $0xA, s15;
	s1 =	sor.u32 s7, s1;
	[sflag:s25] =	ssyncadd.s32 $0xFFFFE000  }
0x54: {  	s26 =	sshrl.u32 s1, $0x3;
	s0 =	sand.u32 $0x7FFC0000, s10;
	_ =	swait.ge [sflag:s25], $0x2000  }
0x55: {  	s19 =	sand.u32 $0x40, s17;
	s0 =	sor.u32 s16, s0;
	[sflag:s25] =	ssyncset.done $0x0  }
0x56: {  	s1 =	sadd.s32 $0x28, s9;
	s0 =	sor.u32 s19, s0;
	[sflag:s25] =	ssyncadd.s32 $0xFFFFE000  }
0x57: {  	s30 =	sadd.s32 $0x14000, s14;
	s0 =	sshrl.u32 s0, $0x3;
	_ =	swait.ge [sflag:s25], $0x2000  }
0x58: {  	s7 =	sadd.s32 s4, s0;
	s0 =	sadd.s32 $0x28000, s13;
	[sflag:s25] =	ssyncset.done $0x0  }
.LBB2_2:
0x59: {  	s5 =	sadd.s32 $0x10000, s30  }
0x5a: {  	[sflag:s25] =	ssyncadd.s32 $0xFFFFE000;
	s9 =	sshrl.u32 s6, $0x3;
	s22 =	sand.u32 $0x38000, s0  }
0x5b: {  	s13 =	sadd.s32 $0x20, s1;
	s10 =	sand.u32 $0x40, s1;
	_ =	swait.ge [sflag:s25], $0x2000  }
0x5c: {  	s14 =	sadd.s32 $0x20000, s0;
	s16 =	sadd.s32 $0x12000, s30;
	[sflag:s25] =	ssyncset.done $0x0  }
0x5d: {  	s17 =	sadd.s32 $0x24000, s0;
	s19 =	simm.s32 $0x40;
	[sflag:s25] =	ssyncadd.s32 $0xFFFFE000  }
0x5e: {  	s10 =	sor.u32 s10, s22;
	s9 =	sadd.s32 s4, s9;
	_ =	swait.ge [sflag:s25], $0x2000  }
0x5f: {  	s5 =	sand.u32 $0x7FFC0000, s5;
	s22 =	simm.s32 $0xB900;
	[sflag:s25] =	ssyncset.done $0x0  }
0x60: {  	s14 =	sand.u32 $0x38000, s14;
	s20 =	sand.u32 $0x3C000, s17;
	[sflag:s25] =	ssyncadd.s32 $0xFFFFE000  }
0x61: {  	[hbm4b:s9+s19] =	stream.strided.scatter [tilespmem:s22], [sflag:$0x3], $0x2000, s12, s19, $0x38;
	[tilespmem:$0x15900] =	vst v63  }
0x62: {  	s13 =	sand.u32 $0x40, s13;
	s5 =	sor.u32 s14, s5;
	_ =	swait.ge [sflag:s11], $0x2000  }
0x63: {  	s21 =	sand.u32 $0x7FFC0000, s16;
	s5 =	sor.u32 s13, s5;
	[sflag:s11] =	ssyncset.done $0x0  }
0x64: {  	s9 =	sor.u32 s20, s21;
	s20 =	simm.s32 $0xD900;
	[sflag:s11] =	ssyncadd.s32 $0xFFFFE000  }
0x65: {  	[hbm4b:s7+s19] =	stream.strided.scatter [tilespmem:s20], [sflag:$0x3], $0x2000, s12, s19, $0x38;
	[tilespmem:$0x15900] =	vst v63  }
0x66: {  	s17 =	sshrl.u32 s5, $0x3;
	_ =	swait.ge [sflag:s11], $0x2000  }
0x67: {  	s5 =	sadd.s32 s4, s26;
	s21 =	sadd.s32 $0x1400, s2;
	[sflag:s11] =	ssyncset.done $0x0  }
0x68: {  	[dreg:$0x4] =	wrdreg s21;
	s21 =	simm.s32 $0xF900;
	[sflag:s11] =	ssyncadd.s32 $0xFFFFE000  }
0x69: {  	[hbm4b:s5+s19] =	stream.strided.scatter [tilespmem:s21], [sflag:$0x3], $0x2000, s12, s19, $0x38;
	[tilespmem:$0x15900] =	vst v63  }
0x6a: {  	_ =	swait.ge [sflag:s11], $0x2000  }
0x6b: {  	[sflag:s11] =	ssyncset.done $0x0  }
0x6c: {  	s14 =	sadd.s32 s4, s28;
	s5 =	simm.s32 $0x11900;
	[sflag:s11] =	ssyncadd.s32 $0xFFFFE000  }
0x6d: {  	[hbm4b:s14+s19] =	stream.strided.scatter [tilespmem:s5], [sflag:$0x3], $0x2000, s12, s19, $0x38;
	[tilespmem:$0x15900] =	vst v63  }
0x6e: {  	s15 =	sadd.s32 $0x24, s1;
	_ =	swait.ge [sflag:s11], $0x2000  }
0x6f: {  	s15 =	sand.u32 $0x40, s15;
	[sflag:s11] =	ssyncset.done $0x0  }
0x70: {  	s16 =	sor.u32 s15, s9;
	s15 =	sadd.s32 s4, s29;
	[sflag:s11] =	ssyncadd.s32 $0xFFFFE000  }
0x71: {  	[hbm4b:s15+s19] =	stream.strided.scatter [tilespmem:s24], [sflag:$0x3], $0x2000, s12, s19, $0x38;
	[tilespmem:$0x15900] =	vst v63  }
0x72: {  	_ =	swait.ge [sflag:s11], $0x2000  }
0x73: {  	s8 =	smov.u32 s2;
	[sflag:s11] =	ssyncset.done $0x0  }
0x74: {  	p0 =	sne.s32 s2, $0x5000;
	s2 =	sshra.s32 s8, $0x2;
	[sflag:s11] =	ssyncadd.s32 $0xFFFFE000  }
0x75: {  	[tilespmem:s18], [sflag:$0x1] =	stream.indirect.gather [hbm4b:s3+s12], $0x40, s2, s12, $0xb8;
	[tilespmem:$0x15900] =	vst v63  }
0x76: {  	s28 =	smov.u32 s17;
	s17 =	simm.s32 $0x3900;
	s8 =	sadd.s32 $0x80, s2  }
0x77: {  	[tilespmem:s17], [sflag:$0x1] =	stream.indirect.gather [hbm4b:s3+s12], $0x40, s8, s12, $0xb8;
	[tilespmem:$0x15900] =	vst v63  }
0x78: {  	s7 =	sshrl.u32 s16, $0x3;
	s16 =	sadd.s32 $0x100, s2;
	s18 =	simm.s32 $0x5900  }
0x79: {  	[tilespmem:s18], [sflag:$0x1] =	stream.indirect.gather [hbm4b:s3+s12], $0x40, s16, s12, $0xb8;
	[tilespmem:$0x15900] =	vst v63  }
0x7a: {  	s26 =	simm.s32 $0x7900;
	s29 =	smov.u32 s7;
	s7 =	sadd.s32 $0x180, s2  }
0x7b: {  	[tilespmem:s26], [sflag:$0x1] =	stream.indirect.gather [hbm4b:s3+s12], $0x40, s7, s12, $0xb8;
	[tilespmem:$0x15900] =	vst v63  }
0x7c: {  	s13 =	sadd.s32 $0x200, s2;
	s18 =	simm.s32 $0x9900  }
0x7d: {  	[tilespmem:s18], [sflag:$0x1] =	stream.indirect.gather [hbm4b:s3+s12], $0x40, s13, s12, $0xb8;
	[tilespmem:$0x15900] =	vst v63  }
0x7e: {  	s6 =	sadd.s32 $0x10000, s0;
	s8 =	sadd.s32 $0x280, s2  }
0x7f: {  	[tilespmem:s22], [sflag:$0x2] =	stream.indirect.gather [hbm4b:s3+s12], $0x40, s8, s12, $0xb8;
	[tilespmem:$0x15900] =	vst v63  }
0x80: {  	s6 =	sand.u32 $0x38000, s6;
	s9 =	sadd.s32 $0x300, s2;
	s14 =	sadd.s32 $0xC000, s0  }
0x81: {  	[tilespmem:s20], [sflag:$0x2] =	stream.indirect.gather [hbm4b:s3+s12], $0x40, s9, s12, $0xb8;
	[tilespmem:$0x15900] =	vst v63  }
0x82: {  	s15 =	sadd.s32 $0x4000, s30;
	s16 =	sadd.s32 $0xC, s1;
	s7 =	sadd.s32 $0x380, s2  }
0x83: {  	[tilespmem:s21], [sflag:$0x2] =	stream.indirect.gather [hbm4b:s3+s12], $0x40, s7, s12, $0xb8;
	[tilespmem:$0x15900] =	vst v63  }
0x84: {  	s17 =	sand.u32 $0x7FFC0000, s30;
	s16 =	sand.u32 $0x40, s16;
	s13 =	sadd.s32 $0x400, s2  }
0x85: {  	[tilespmem:s5], [sflag:$0x2] =	stream.indirect.gather [hbm4b:s3+s12], $0x40, s13, s12, $0xb8;
	[tilespmem:$0x15900] =	vst v63  }
0x86: {  	s26 =	sshll.u32 s31, $0xE;
	s2 =	sadd.s32 $0x480, s2;
	s18 =	sshll.u32 s31, $0x2  }
0x87: {  	[tilespmem:s24], [sflag:$0x2] =	stream.indirect.gather [hbm4b:s3+s12], $0x40, s2, s12, $0xb8;
	[tilespmem:$0x15900] =	vst v63  }
0x88: {  	s31 =	sadd.s32 $0xA, s31;
	s18 =	sand.u32 $0x40, s18;
	_ =	swait.ge [sflag:s23], $0x2000  }
0x89: {  	s8 =	sand.u32 $0x38000, s26;
	s26 =	sadd.s32 $0x8, s1;
	[sflag:s23] =	ssyncset.done $0x0  }
0x8a: {  	s22 =	simm.s32 $0xD900;
	s26 =	sand.u32 $0x40, s26;
	[sflag:s23] =	ssyncadd.s32 $0xFFFFE000  }
0x8b: {  	s9 =	sor.u32 s17, s10;
	s10 =	sadd.s32 $0x8000, s0;
	_ =	swait.ge [sflag:s23], $0x2000  }
0x8c: {  	s20 =	simm.s32 $0xF900;
	s10 =	sand.u32 $0x38000, s10;
	[sflag:s23] =	ssyncset.done $0x0  }
0x8d: {  	s9 =	sshrl.u32 s9, $0x3;
	s7 =	sand.u32 $0x7FFC0000, s15;
	[sflag:s23] =	ssyncadd.s32 $0xFFFFE000  }
0x8e: {  	s15 =	sadd.s32 $0x6000, s30;
	s21 =	simm.s32 $0x11900;
	_ =	swait.ge [sflag:s23], $0x2000  }
0x8f: {  	s9 =	sadd.s32 s4, s9;
	s7 =	sor.u32 s10, s7;
	[sflag:s23] =	ssyncset.done $0x0  }
0x90: {  	s13 =	sand.u32 $0x7FFC0000, s15;
	s5 =	sand.u32 $0x3C000, s14;
	[sflag:s23] =	ssyncadd.s32 $0xFFFFE000  }
0x91: {  	s15 =	simm.s32 $0x13900;
	s14 =	sor.u32 s8, s18;
	_ =	swait.ge [sflag:s23], $0x2000  }
0x92: {  	s18 =	simm.s32 $0x1900;
	s7 =	sor.u32 s26, s7;
	[sflag:s23] =	ssyncset.done $0x0  }
0x93: {  	s26 =	sadd.s32 $0x8000, s30;
	s10 =	sor.u32 s5, s13;
	[sflag:s23] =	ssyncadd.s32 $0xFFFFE000  }
0x94: {  	s7 =	sshrl.u32 s7, $0x3;
	s5 =	sadd.s32 $0x10, s1;
	_ =	swait.ge [sflag:s23], $0x2000  }
0x95: {  	s2 =	sor.u32 s17, s14;
	s8 =	sor.u32 s16, s10;
	[sflag:s23] =	ssyncset.done $0x0  }
0x96: {  	s10 =	sand.u32 $0x7FFC0000, s26;
	s13 =	sand.u32 $0x40, s5;
	[sflag:s23] =	ssyncadd.s32 $0xFFFFE000  }
0x97: {  	[hbm4b:s9+s19] =	stream.strided.scatter [tilespmem:s18], [sflag:$0x3], $0x2000, s12, s19, $0x38;
	[tilespmem:$0x15900] =	vst v63  }
0x98: {  	s2 =	sshrl.u32 s2, $0x3;
	s6 =	sor.u32 s6, s10;
	_ =	swait.ge [sflag:s11], $0x2000  }
0x99: {  	s6 =	sor.u32 s13, s6;
	[sflag:s11] =	ssyncset.done $0x0;
	s9 =	rddreg [dreg:$0x3]  }
0x9a: {  	s13 =	simm.s32 $0x3900;
	[sflag:s11] =	ssyncadd.s32 $0xFFFFE000;
	s2 =	sadd.s32 s2, s9  }
0x9b: {  	[hbm4b:s2+s19] =	stream.strided.scatter [tilespmem:s13], [sflag:$0x3], $0x2000, s12, s19, $0x38;
	[tilespmem:$0x15900] =	vst v63  }
0x9c: {  	s14 =	sadd.s32 s4, s7;
	s16 =	sadd.s32 $0x14000, s0;
	_ =	swait.ge [sflag:s11], $0x2000  }
0x9d: {  	s17 =	sadd.s32 $0xA000, s30;
	s26 =	simm.s32 $0x5900;
	[sflag:s11] =	ssyncset.done $0x0  }
0x9e: {  	s8 =	sshrl.u32 s8, $0x3;
	s7 =	sand.u32 $0x3C000, s16;
	[sflag:s11] =	ssyncadd.s32 $0xFFFFE000  }
0x9f: {  	[hbm4b:s14+s19] =	stream.strided.scatter [tilespmem:s26], [sflag:$0x3], $0x2000, s12, s19, $0x38;
	[tilespmem:$0x15900] =	vst v63  }
0xa0: {  	s8 =	sadd.s32 s4, s8;
	s10 =	sshrl.u32 s6, $0x3;
	_ =	swait.ge [sflag:s11], $0x2000  }
0xa1: {  	s5 =	sadd.s32 s4, s10;
	s9 =	sadd.s32 $0x18000, s0;
	[sflag:s11] =	ssyncset.done $0x0  }
0xa2: {  	s13 =	sand.u32 $0x7FFC0000, s17;
	s17 =	simm.s32 $0x7900;
	[sflag:s11] =	ssyncadd.s32 $0xFFFFE000  }
0xa3: {  	[hbm4b:s8+s19] =	stream.strided.scatter [tilespmem:s17], [sflag:$0x3], $0x2000, s12, s19, $0x38;
	[tilespmem:$0x15900] =	vst v63  }
0xa4: {  	s2 =	sadd.s32 $0xE000, s30;
	s9 =	sand.u32 $0x38000, s9;
	_ =	swait.ge [sflag:s11], $0x2000  }
0xa5: {  	s6 =	sor.u32 s7, s13;
	s13 =	sadd.s32 $0x18, s1;
	[sflag:s11] =	ssyncset.done $0x0  }
0xa6: {  	s2 =	sand.u32 $0x7FFC0000, s2;
	s17 =	simm.s32 $0x9900;
	[sflag:s11] =	ssyncadd.s32 $0xFFFFE000  }
0xa7: {  	[hbm4b:s5+s19] =	stream.strided.scatter [tilespmem:s17], [sflag:$0x3], $0x2000, s12, s19, $0x38;
	[tilespmem:$0x15900] =	vst v63  }
0xa8: {  	s14 =	sadd.s32 $0x14, s1;
	s26 =	sadd.s32 $0xC000, s30;
	_ =	swait.ge [sflag:s11], $0x2000  }
0xa9: {  	s30 =	sadd.s32 $0x14000, s30;
	s16 =	sand.u32 $0x40, s14;
	[sflag:s11] =	ssyncset.done $0x0  }
0xaa: {  	s7 =	sand.u32 $0x7FFC0000, s26;
	s14 =	sand.u32 $0x40, s13;
	[sflag:s11] =	ssyncadd.s32 $0xFFFFE000  }
0xab: {  	s26 =	sadd.s32 $0x1C, s1;
	s1 =	sadd.s32 $0x28, s1;
	_ =	swait.ge [sflag:s25], $0x2000  }
0xac: {  	s6 =	sor.u32 s16, s6;
	s7 =	sor.u32 s9, s7;
	[sflag:s25] =	ssyncset.done $0x0  }
0xad: {  	s16 =	sadd.s32 $0x1C000, s0;
	s9 =	sand.u32 $0x40, s26;
	[sflag:s25] =	ssyncadd.s32 $0xFFFFE000  }
.Ltmp0:
0xae: {  	s0 =	sadd.s32 $0x28000, s0;
	_ =	swait.ge [sflag:s25], $0x2000;
	(pc) =	sbr.rel @p0 .LBB2_2-.Ltmp0, $4  }
0xaf: {  	s7 =	sor.u32 s14, s7;
	s19 =	sand.u32 $0x3C000, s16;
	[sflag:s25] =	ssyncset.done $0x0  }
0xb0: {  	s7 =	sshrl.u32 s7, $0x3;
	s2 =	sor.u32 s19, s2;
	[sflag:s25] =	ssyncadd.s32 $0xFFFFE000  }
0xb1: {  	s7 =	sadd.s32 s4, s7;
	s2 =	sor.u32 s9, s2;
	_ =	swait.ge [sflag:s25], $0x2000  }
0xb2: {  	s26 =	sshrl.u32 s2, $0x3;
	[sflag:s25] =	ssyncset.done $0x0;
	s2 =	rddreg [dreg:$0x4]  }
0xb3: {  	[sflag:s25] =	ssyncadd.s32 $0xFFFFE000  }
0xb4: {  	_ =	swait.ge [sflag:s25], $0x2000  }
0xb5: {  	[sflag:s25] =	ssyncset.done $0x0  }
0xb6: {  	[sflag:s25] =	ssyncadd.s32 $0xFFFFE000  }
0xb7: {  	_ =	swait.ge [sflag:s25], $0x2000  }
0xb8: {  	s0 =	sshrl.u32 s6, $0x3;
	s2 =	simm.s32 $0x40;
	[sflag:s25] =	ssyncset.done $0x0  }
0xb9: {  	s1 =	simm.s32 $0xB900;
	s0 =	sadd.s32 s4, s0;
	[sflag:s25] =	ssyncadd.s32 $0xFFFFE000  }
0xba: {  	[hbm4b:s0+s2] =	stream.strided.scatter [tilespmem:s1], [sflag:$0x3], $0x2000, s12, s2, $0x38;
	[tilespmem:$0x15900] =	vst v63  }
0xbb: {  	_ =	swait.ge [sflag:s11], $0x2000  }
0xbc: {  	[sflag:s11] =	ssyncset.done $0x0  }
0xbd: {  	[sflag:s11] =	ssyncadd.s32 $0xFFFFE000  }
0xbe: {  	[hbm4b:s7+s2] =	stream.strided.scatter [tilespmem:s22], [sflag:$0x3], $0x2000, s12, s2, $0x38;
	[tilespmem:$0x15900] =	vst v63  }
0xbf: {  	_ =	swait.ge [sflag:s11], $0x2000  }
0xc0: {  	[sflag:s11] =	ssyncset.done $0x0  }
0xc1: {  	s17 =	sadd.s32 s4, s26;
	[sflag:s11] =	ssyncadd.s32 $0xFFFFE000  }
0xc2: {  	[hbm4b:s17+s2] =	stream.strided.scatter [tilespmem:s20], [sflag:$0x3], $0x2000, s12, s2, $0x38;
	[tilespmem:$0x15900] =	vst v63  }
0xc3: {  	_ =	swait.ge [sflag:s11], $0x2000  }
0xc4: {  	[sflag:s11] =	ssyncset.done $0x0  }
0xc5: {  	s19 =	sadd.s32 s4, s28;
	[sflag:s11] =	ssyncadd.s32 $0xFFFFE000  }
0xc6: {  	[hbm4b:s19+s2] =	stream.strided.scatter [tilespmem:s21], [sflag:$0x3], $0x2000, s12, s2, $0x38;
	[tilespmem:$0x15900] =	vst v63  }
0xc7: {  	_ =	swait.ge [sflag:s11], $0x2000  }
0xc8: {  	[sflag:s11] =	ssyncset.done $0x0  }
0xc9: {  	s26 =	sadd.s32 s4, s29;
	[sflag:s11] =	ssyncadd.s32 $0xFFFFE000  }
0xca: {  	[hbm4b:s26+s2] =	stream.strided.scatter [tilespmem:s15], [sflag:$0x3], $0x2000, s12, s2, $0x38;
	[tilespmem:$0x15900] =	vst v63  }
0xcb: {  	_ =	swait.ge [sflag:s11], $0x2000  }
0xcc: {  	s28 =	rddreg [dreg:$0xb]  }
0xcd: {  	s29 =	rddreg [dreg:$0x6];
	s1 =	sadd.s32 $0x1, s28  }
0xce: {  	p0 =	sne.s32 s1, s29  }
.Ltmp1:
0xcf: {  	_ = 	snop;
	(pc) =	sbr.rel @p0 .LBB2_1-.Ltmp1, $3  }
0xd0: {  	_ =	sdelay $0x1  }
0xd1: {  	s16 =	simm.s32 $0x3900;
	s31 =	simm.s32 $0x7900;
	[sflag:s11] =	ssyncset.done $0x0  }
0xd2: {  	s30 =	simm.s32 $0x9900;
	s17 =	simm.s32 $0x5900;
	[sflag:s11] =	ssyncadd.s32 $0xFFFFE000  }
0xd3: {  	_ =	sfence.sel $0x180000  }
0xd4: {  	[bflag:$0x0] =	sbarrier.arrive $0xFFFF  }
0xd5: {  	_ =	strace $0x90000047  }
0xd6: {  	s0 =	stileid.u32;
	[bflag:$0x2] =	sbarrier.arrive $0xFFFF  }
0xd7: {  	p0 =	sne.s32 s0, $0x0;
	s0 =	rddreg [dreg:$0x2]  }
0xd8: {  	s0 =	sadd.s32 @!p0 $0x100000, s0  }
0xd9: {  	[sflag:s0] =	ssyncadd.tile.s32 @!p0 $0x1;
	_ =	shalt  }
.Lfunc_end2:
_tile_overlayer_lowered:
.L_overlay_start_2:
0xda: {  	(tag) =	ssettag $0x2  }
0xdb: {  	s0 =	rddreg [dreg:$0x0];
	s2 =	stileid.u32  }
0xdc: {  	s1 =	rddreg [dreg:$0x1];
	p0 =	sne.s32 s2, $0x0  }
0xdd: {  	s3 =	rddreg [dreg:$0x2];
	[bflag:$0x3] =	sbarrier.arrive $0xFFFF;
	s2 =	simm.s32 @!p0 $0x1C03  }
0xde: {  	[timem:s3], [sflag:s2] =	dma.local @!p0 [hbm:s0], s1  }
0xdf: {  	s0 =	simm.s32 @!p0 $0x3  }
0xe0: {  	_ =	swait.ge @!p0 [sflag:s0], s1  }
0xe1: {  	s1 =	ssub.s32 @!p0 $0x0, s1;
	[sflag:s0] =	ssyncset.done @!p0 $0x0  }
0xe2: {  	[sflag:s0] =	ssyncadd.s32 @!p0 s1  }
0xe3: {  	[bflag:$0x3] =	sbarrier.arrive $0xFFFF  }
0xe4: {  	_ =	shalt  }

</sc_bundles>
